<compile_context>
chip_gen: v7x
topology: tpu7x:2x2x1
jax: 0.10.2.dev20260603
libtpu: 0.0.44.dev20260713+nightly
codegen_flags: <defaults>
</compile_context>

<pallas_src>
import functools

import jax
import jax.numpy as jnp
from jax import lax
from jax.experimental import pallas as pl
from jax.experimental.pallas import tpu as pltpu
from jax.experimental.pallas import tpu_sc as plsc

D_MODEL = 768
D_EXPERT = 1536
N_EXPERTS = 64
N_TOKENS = 2048
CAP = 40
N_SLOTS = N_EXPERTS * CAP
XB_ROWS = N_SLOTS + CAP
TB = 512
N_TB = N_TOKENS // TB


def _router_body(x_ref, wr_ref, dest_ref, kc_ref, psum_ref,
                 z2_ref, cnt_ref):
    i = pl.program_id(0)
    xb = x_ref[...]
    wr = wr_ref[...]
    logits = lax.dot_general(xb, wr, (((1,), (1,)), ((), ())),
                             preferred_element_type=jnp.float32)
    mx = jnp.max(logits, axis=1, keepdims=True)
    ex = jnp.exp(logits - mx)
    s = jnp.sum(ex, axis=1, keepdims=True)
    probs = ex / s
    logz = mx + jnp.log(s)
    z2 = jnp.sum(logz * logz)

    ids = lax.broadcasted_iota(jnp.int32, (TB, N_EXPERTS), 1)
    cand = jnp.where(logits == mx, ids, N_EXPERTS)
    top1 = jnp.min(cand, axis=1, keepdims=True)
    mask = (ids == top1).astype(jnp.float32)

    r_io = lax.broadcasted_iota(jnp.int32, (TB, TB), 0)
    c_io = lax.broadcasted_iota(jnp.int32, (TB, TB), 1)
    ltri = (c_io <= r_io).astype(jnp.float32)
    incl = lax.dot_general(ltri, mask, (((1,), (0,)), ((), ())),
                           preferred_element_type=jnp.float32)

    @pl.when(i == 0)
    def _():
        cnt_ref[...] = jnp.zeros((1, N_EXPERTS), jnp.float32)

    pos = cnt_ref[...] + incl - 1.0
    cnt_ref[...] += jnp.sum(mask, axis=0, keepdims=True)

    pos_tok = jnp.sum(mask * pos, axis=1)
    kept = pos_tok < CAP
    dest = jnp.where(kept,
                     top1[:, 0] * CAP + pos_tok.astype(jnp.int32),
                     N_SLOTS)
    dest_ref[...] = dest.reshape(1, 1, TB)

    psum = jnp.sum(probs, axis=0, keepdims=True).reshape(1, 1, N_EXPERTS)
    z2b = jnp.full((1, 1, 8), z2, dtype=jnp.float32)

    @pl.when(i == 0)
    def _():
        psum_ref[...] = psum
        z2_ref[...] = z2b

    @pl.when(i > 0)
    def _():
        psum_ref[...] += psum
        z2_ref[...] += z2b

    @pl.when(i == N_TB - 1)
    def _():
        kcf = jnp.minimum(cnt_ref[...], float(CAP))
        kc_ref[...] = kcf.astype(jnp.int32).reshape(1, 1, N_EXPERTS)


def _router(x2d, wr):
    return pl.pallas_call(
        _router_body,
        grid=(N_TB,),
        in_specs=[
            pl.BlockSpec((TB, D_MODEL), lambda i: (i, 0)),
            pl.BlockSpec((N_EXPERTS, D_MODEL), lambda i: (0, 0)),
        ],
        out_specs=[
            pl.BlockSpec((1, 1, TB), lambda i: (i, 0, 0)),
            pl.BlockSpec((1, 1, N_EXPERTS), lambda i: (0, 0, 0)),
            pl.BlockSpec((1, 1, N_EXPERTS), lambda i: (0, 0, 0)),
            pl.BlockSpec((1, 1, 8), lambda i: (0, 0, 0)),
        ],
        out_shape=[
            jax.ShapeDtypeStruct((N_TB, 1, TB), jnp.int32),
            jax.ShapeDtypeStruct((1, 1, N_EXPERTS), jnp.int32),
            jax.ShapeDtypeStruct((1, 1, N_EXPERTS), jnp.float32),
            jax.ShapeDtypeStruct((1, 1, 8), jnp.float32),
        ],
        scratch_shapes=[
            pltpu.VMEM((1, N_EXPERTS), jnp.float32),
        ],
    )(x2d, wr)


def _dispatch_body(rows_per, dest_hbm, x_hbm, xb_hbm, idx_v, rows_v, sem):
    wid = lax.axis_index("s") * 2 + lax.axis_index("c")
    base = wid * rows_per
    pltpu.sync_copy(dest_hbm.at[pl.ds(base, rows_per)], idx_v)
    pltpu.sync_copy(x_hbm.at[pl.ds(base, rows_per)], rows_v)
    pltpu.async_copy(rows_v, xb_hbm.at[idx_v], sem).wait()


def _dispatch(dest, x2d):
    info = plsc.get_sparse_core_info()
    nw = info.num_cores * info.num_subcores
    rows_per = N_TOKENS // nw
    mesh = plsc.VectorSubcoreMesh(core_axis_name="c", subcore_axis_name="s")
    f = pl.kernel(
        functools.partial(_dispatch_body, rows_per),
        out_type=jax.ShapeDtypeStruct((XB_ROWS, D_MODEL), jnp.float32),
        mesh=mesh,
        scratch_types=[
            pltpu.VMEM((rows_per,), jnp.int32),
            pltpu.VMEM((rows_per, D_MODEL), jnp.float32),
            pltpu.SemaphoreType.DMA,
        ],
    )
    return f(dest, x2d)


def _combine_body(rows_per, dest_hbm, eo_hbm, out_hbm, idx_v, rows_v, sem):
    wid = lax.axis_index("s") * 2 + lax.axis_index("c")
    base = wid * rows_per
    pltpu.sync_copy(dest_hbm.at[pl.ds(base, rows_per)], idx_v)
    pltpu.async_copy(eo_hbm.at[idx_v], rows_v, sem).wait()
    pltpu.sync_copy(rows_v, out_hbm.at[pl.ds(base, rows_per)])


def _combine(dest, eo):
    info = plsc.get_sparse_core_info()
    nw = info.num_cores * info.num_subcores
    rows_per = N_TOKENS // nw
    mesh = plsc.VectorSubcoreMesh(core_axis_name="c", subcore_axis_name="s")
    f = pl.kernel(
        functools.partial(_combine_body, rows_per),
        out_type=jax.ShapeDtypeStruct((N_TOKENS, D_MODEL), jnp.float32),
        mesh=mesh,
        scratch_types=[
            pltpu.VMEM((rows_per,), jnp.int32),
            pltpu.VMEM((rows_per, D_MODEL), jnp.float32),
            pltpu.SemaphoreType.DMA,
        ],
    )
    return f(dest, eo)


def _experts_body(xb_ref, w1a_ref, b1_ref, w2a_ref, b2_ref, out_ref):
    e = pl.program_id(0)

    @pl.when(e == N_EXPERTS)
    def _():
        out_ref[...] = jnp.zeros((CAP, D_MODEL), jnp.float32)

    @pl.when(e < N_EXPERTS)
    def _():
        xb = xb_ref[...]
        h = lax.dot_general(xb, w1a_ref[0], (((1,), (1,)), ((), ())),
                            preferred_element_type=jnp.float32)
        h = jnp.maximum(h + b1_ref[0], 0.0)
        o = lax.dot_general(h, w2a_ref[0], (((1,), (1,)), ((), ())),
                            preferred_element_type=jnp.float32)
        out_ref[...] = o + b2_ref[0]


def _experts(xb, w1, b1, w2, b2):
    b1r = b1.reshape(N_EXPERTS, 1, D_EXPERT)
    b2r = b2.reshape(N_EXPERTS, 1, D_MODEL)
    H2 = D_EXPERT // 2
    M2 = D_MODEL // 2
    ec = lambda e: jnp.minimum(e, N_EXPERTS - 1)
    return pl.pallas_call(
        _experts_body,
        grid=(N_EXPERTS + 1,),
        in_specs=[
            pl.BlockSpec((CAP, D_MODEL), lambda e: (ec(e), 0)),
            pl.BlockSpec((1, D_EXPERT, D_MODEL), lambda e: (ec(e), 0, 0)),
            pl.BlockSpec((1, 1, D_EXPERT), lambda e: (ec(e), 0, 0)),
            pl.BlockSpec((1, D_MODEL, D_EXPERT), lambda e: (ec(e), 0, 0)),
            pl.BlockSpec((1, 1, D_MODEL), lambda e: (ec(e), 0, 0)),
        ],
        out_specs=pl.BlockSpec((CAP, D_MODEL), lambda e: (e, 0)),
        out_shape=jax.ShapeDtypeStruct((XB_ROWS, D_MODEL), jnp.float32),
        compiler_params=pltpu.CompilerParams(
            vmem_limit_bytes=100 * 1024 * 1024,
            dimension_semantics=("parallel",),
        ),
    )(xb, w1, b1r, w2, b2r)


def kernel(x, Wr, W1, b1, W2, b2):
    B, T, D = x.shape
    x2d = x.reshape(B * T, D)

    dest3, kc3, psum, z2 = _router(x2d, Wr)
    dest = dest3.reshape(N_TOKENS)
    kc = kc3.reshape(N_EXPERTS)

    xb = _dispatch(dest, x2d)
    eo = _experts(xb, W1, b1, W2, b2)
    out2d = _combine(dest, eo)

    p_i = psum[0, 0, :] / jnp.float32(N_TOKENS)
    z_loss = z2[0, 0, 0] / jnp.float32(N_TOKENS)
    kcf = kc.astype(jnp.float32)
    total_sel = jnp.maximum(jnp.sum(kcf), 1.0)
    f_i = kcf / total_sel
    aux_loss = N_EXPERTS * jnp.sum(f_i * p_i)
    total_aux = 0.01 * aux_loss + 0.001 * z_loss

    out = out2d.reshape(B, T, D)
    return out, aux_loss, z_loss, total_aux

# --- scband reference (transcript-rebuilt; emitter-appended) ---
"""Pipeline reference for scband-load-balanced-mo-elayer-65687229825617 (READ-ONLY COPY).

The authoritative reference and input builder live on the scoring server;
editing this copy changes nothing except your own understanding.
"""

import jax, jax.numpy as jnp
import numpy as np

D_MODEL = 768
D_EXPERT = 1536
N_EXPERTS = 64
TOP_K = 1
CAP_FACTOR = 1.25
AUX_COEFF = 0.01
Z_COEFF = 0.001
BATCH = 1
SEQ = 2048


def setup_inputs(seed: int = 0) -> dict:
    key = jax.random.key(seed)
    ks = jax.random.split(key, 6)
    s_in = 1.0 / np.sqrt(D_MODEL)
    s_hid = 1.0 / np.sqrt(D_EXPERT)
    x = jax.random.normal(ks[0], (BATCH, SEQ, D_MODEL), dtype=jnp.float32)
    Wr = jax.random.uniform(ks[1], (N_EXPERTS, D_MODEL), minval=-s_in, maxval=s_in, dtype=jnp.float32)
    W1 = jax.random.uniform(ks[2], (N_EXPERTS, D_EXPERT, D_MODEL), minval=-s_in, maxval=s_in, dtype=jnp.float32)
    b1 = jax.random.uniform(ks[3], (N_EXPERTS, D_EXPERT), minval=-s_in, maxval=s_in, dtype=jnp.float32)
    W2 = jax.random.uniform(ks[4], (N_EXPERTS, D_MODEL, D_EXPERT), minval=-s_hid, maxval=s_hid, dtype=jnp.float32)
    b2 = jax.random.uniform(ks[5], (N_EXPERTS, D_MODEL), minval=-s_hid, maxval=s_hid, dtype=jnp.float32)
    return {"x": x, "Wr": Wr, "W1": W1, "b1": b1, "W2": W2, "b2": b2}


def _moe_forward(x, Wr, W1, b1, W2, b2):
    B, T, D = x.shape
    N = B * T
    E = N_EXPERTS
    k = TOP_K
    xf = x.reshape(N, D)
    # router (nn.Linear, no bias)
    logits = xf @ Wr.T
    # z-loss: mean(logsumexp(logits)^2)
    log_z = jax.scipy.special.logsumexp(logits, axis=-1)
    z_loss = jnp.mean(log_z ** 2)
    # top-k routing (eval mode: jitter_eps=0 -> no noise)
    probs = jax.nn.softmax(logits, axis=-1)
    topk_p, topk_i = jax.lax.top_k(probs, k)
    topk_p = topk_p / jnp.maximum(jnp.sum(topk_p, axis=-1, keepdims=True), 1e-9)
    mask = jnp.zeros((N, E), dtype=logits.dtype).at[jnp.arange(N)[:, None], topk_i].set(1.0)
    capacity = max(1, int(N / E * CAP_FACTOR * k))
    # capacity truncation: keep first `capacity` assigned tokens per expert (token order)
    pos = jnp.cumsum(mask, axis=0) - 1.0
    kept = mask * (pos < capacity).astype(mask.dtype)
    # Switch aux load-balance loss on truncated expert_mask
    total_sel = jnp.maximum(jnp.sum(kept), 1.0)
    f_i = jnp.sum(kept, axis=0) / total_sel
    P_i = jnp.mean(probs, axis=0)
    aux_loss = E * jnp.sum(f_i * P_i)
    # dispatch tokens into per-expert capacity buffers via scatter
    pos_i = pos.astype(jnp.int32)
    kept_slot = jnp.take_along_axis(kept, topk_i, axis=1)      # (N, k)
    pos_slot = jnp.take_along_axis(pos_i, topk_i, axis=1)      # (N, k)
    dest = jnp.where(kept_slot > 0, topk_i * capacity + pos_slot, E * capacity)  # (N, k)
    vals = jnp.broadcast_to(xf[:, None, :], (N, k, D)).reshape(N * k, D)
    buf = jnp.zeros((E * capacity + 1, D), dtype=xf.dtype).at[dest.reshape(-1)].set(vals)
    eb = buf[: E * capacity].reshape(E, capacity, D)
    # per-expert MLP: Linear -> ReLU -> Linear
    h = jax.nn.relu(jnp.einsum('ecd,ehd->ech', eb, W1) + b1[:, None, :])
    eo = jnp.einsum('ech,edh->ecd', h, W2) + b2[:, None, :]
    # combine: gather each token's expert output back, weighted by normalized top-k prob
    eo_flat = jnp.concatenate([eo.reshape(E * capacity, D), jnp.zeros((1, D), dtype=eo.dtype)], axis=0)
    gathered = eo_flat[dest]                                   # (N, k, D)
    w = topk_p * kept_slot
    out = jnp.sum(w[:, :, None] * gathered, axis=1).reshape(B, T, D)
    total_aux = AUX_COEFF * aux_loss + Z_COEFF * z_loss
    return out, aux_loss, z_loss, total_aux


def reference(x, Wr, W1, b1, W2, b2):
    out, aux_loss, z_loss, total_aux = _moe_forward(x, Wr, W1, b1, W2, b2)
    return out, aux_loss, z_loss, total_aux

if __name__ == "__main__":
    import jax
    _d = setup_inputs()
    print(jax.jit(kernel)(*tuple(_d.values())))

</pallas_src>

<mosaic_0001>
#map = affine_map<(d0, d1) -> (0)>
#map1 = affine_map<(d0, d1) -> (0, 0)>
module attributes {stable_mosaic.version = 14 : i64} {
  func.func @_dispatch_body(%arg0: i32, %arg1: i32, %arg2: memref<2048xi32, #tpu.memory_space<hbm>>, %arg3: memref<2048x768xf32, #tpu.memory_space<hbm>>, %arg4: memref<2600x768xf32, #tpu.memory_space<hbm>>, %arg5: memref<64xi32, #tpu.memory_space<vmem>>, %arg6: memref<64x768xf32, #tpu.memory_space<vmem>>, %arg7: memref<!tpu.dma_semaphore, #tpu.memory_space<semaphore_mem>>) attributes {dimension_semantics = [#tpu.dimension_semantics<core_parallel>, #tpu.dimension_semantics<subcore_parallel>], iteration_bounds = array<i64: 2, 16>, scalar_prefetch = 0 : i64, scratch_operands = 3 : i64, tpu.core_type = #tpu.core_type<sc_vector_subcore>, window_params = [{transform_indices = #map}, {transform_indices = #map1}, {transform_indices = #map1}]} {
    %mul3A = arith.constant 2 : i32
    %mul3A_0 = arith.muli %arg1, %mul3A : i32
    %add3A = arith.addi %mul3A_0, %arg0 : i32
    %mul3A_1 = arith.constant 64 : i32
    %mul3A_2 = arith.muli %add3A, %mul3A_1 : i32
    "tpu.region"() ({
      %run_scoped3A = tpu.sem_alloc : memref<!tpu.dma_semaphore, #tpu.memory_space<semaphore_mem>>
      %dma_start3A_7 = tpu.memref_slice %arg2[%mul3A_2] : memref<2048xi32, #tpu.memory_space<hbm>> -> memref<64xi32, #tpu.memory_space<hbm>>
      %dma_start3A_8 = tpu.memref_slice %arg2[%mul3A_2] : memref<2048xi32, #tpu.memory_space<hbm>> -> memref<64xi32, #tpu.memory_space<hbm>>
      tpu.enqueue_dma source(%dma_start3A_8 : memref<64xi32, #tpu.memory_space<hbm>>) target(%arg5 : memref<64xi32, #tpu.memory_space<vmem>>) target_semaphore(%run_scoped3A : memref<!tpu.dma_semaphore, #tpu.memory_space<semaphore_mem>>)
      %dma_wait3A_9 = tpu.memref_slice %arg2[%mul3A_2] : memref<2048xi32, #tpu.memory_space<hbm>> -> memref<64xi32, #tpu.memory_space<hbm>>
      %dma_wait3A_10 = tpu.memref_slice %arg2[%mul3A_2] : memref<2048xi32, #tpu.memory_space<hbm>> -> memref<64xi32, #tpu.memory_space<hbm>>
      tpu.wait_dma2 semaphore(%run_scoped3A : memref<!tpu.dma_semaphore, #tpu.memory_space<semaphore_mem>>) src(%dma_wait3A_10 : memref<64xi32, #tpu.memory_space<hbm>>) dst(%arg5 : memref<64xi32, #tpu.memory_space<vmem>>)
      tpu.yield
    }) : () -> ()
    "tpu.region"() ({
      %run_scoped3A = tpu.sem_alloc : memref<!tpu.dma_semaphore, #tpu.memory_space<semaphore_mem>>
      %dma_start3A_7 = arith.constant 0 : i32
      %dma_start3A_8 = tpu.memref_slice %arg3[%mul3A_2, %dma_start3A_7] : memref<2048x768xf32, #tpu.memory_space<hbm>> -> memref<64x768xf32, #tpu.memory_space<hbm>>
      %dma_start3A_9 = arith.constant 0 : i32
      %dma_start3A_10 = tpu.memref_slice %arg3[%mul3A_2, %dma_start3A_9] : memref<2048x768xf32, #tpu.memory_space<hbm>> -> memref<64x768xf32, #tpu.memory_space<hbm>>
      tpu.enqueue_dma source(%dma_start3A_10 : memref<64x768xf32, #tpu.memory_space<hbm>>) target(%arg6 : memref<64x768xf32, #tpu.memory_space<vmem>>) target_semaphore(%run_scoped3A : memref<!tpu.dma_semaphore, #tpu.memory_space<semaphore_mem>>)
      %dma_wait3A_11 = arith.constant 0 : i32
      %dma_wait3A_12 = tpu.memref_slice %arg3[%mul3A_2, %dma_wait3A_11] : memref<2048x768xf32, #tpu.memory_space<hbm>> -> memref<64x768xf32, #tpu.memory_space<hbm>>
      %dma_wait3A_13 = arith.constant 0 : i32
      %dma_wait3A_14 = tpu.memref_slice %arg3[%mul3A_2, %dma_wait3A_13] : memref<2048x768xf32, #tpu.memory_space<hbm>> -> memref<64x768xf32, #tpu.memory_space<hbm>>
      tpu.wait_dma2 semaphore(%run_scoped3A : memref<!tpu.dma_semaphore, #tpu.memory_space<semaphore_mem>>) src(%dma_wait3A_14 : memref<64x768xf32, #tpu.memory_space<hbm>>) dst(%arg6 : memref<64x768xf32, #tpu.memory_space<vmem>>)
      tpu.yield
    }) : () -> ()
    %dma_start3A = arith.constant 0 : i32
    %dma_start3A_3 = arith.constant 0 : i32
    %dma_start3A_4 = tpu.memref_slice %arg4[%dma_start3A, %dma_start3A_3] : memref<2600x768xf32, #tpu.memory_space<hbm>> -> memref<2600x768xf32, #tpu.memory_space<hbm>>
    tpu.enqueue_indirect_dma source(%arg6 : memref<64x768xf32, #tpu.memory_space<vmem>>) target(%dma_start3A_4 : memref<2600x768xf32, #tpu.memory_space<hbm>>) offsets(%arg5 : memref<64xi32, #tpu.memory_space<vmem>>) semaphore(%arg7 : memref<!tpu.dma_semaphore, #tpu.memory_space<semaphore_mem>>)
    %dma_wait3A = arith.constant 0 : i32
    %dma_wait3A_5 = arith.constant 0 : i32
    %dma_wait3A_6 = tpu.memref_slice %arg4[%dma_wait3A, %dma_wait3A_5] : memref<2600x768xf32, #tpu.memory_space<hbm>> -> memref<2600x768xf32, #tpu.memory_space<hbm>>
    tpu.wait_indirect_dma semaphore(%arg7 : memref<!tpu.dma_semaphore, #tpu.memory_space<semaphore_mem>>) src(%arg6 : memref<64x768xf32, #tpu.memory_space<vmem>>) dst(%dma_wait3A_6 : memref<2600x768xf32, #tpu.memory_space<hbm>>)
    return
  }
}

#map = affine_map<(d0, d1) -> (0)>
#map1 = affine_map<(d0, d1) -> (0, 0)>
module attributes {stable_mosaic.version = 14 : i64} {
  func.func @_combine_body(%arg0: i32, %arg1: i32, %arg2: memref<2048xi32, #tpu.memory_space<hbm>>, %arg3: memref<2600x768xf32, #tpu.memory_space<hbm>>, %arg4: memref<2048x768xf32, #tpu.memory_space<hbm>>, %arg5: memref<64xi32, #tpu.memory_space<vmem>>, %arg6: memref<64x768xf32, #tpu.memory_space<vmem>>, %arg7: memref<!tpu.dma_semaphore, #tpu.memory_space<semaphore_mem>>) attributes {dimension_semantics = [#tpu.dimension_semantics<core_parallel>, #tpu.dimension_semantics<subcore_parallel>], iteration_bounds = array<i64: 2, 16>, scalar_prefetch = 0 : i64, scratch_operands = 3 : i64, tpu.core_type = #tpu.core_type<sc_vector_subcore>, window_params = [{transform_indices = #map}, {transform_indices = #map1}, {transform_indices = #map1}]} {
    %mul3A = arith.constant 2 : i32
    %mul3A_0 = arith.muli %arg1, %mul3A : i32
    %add3A = arith.addi %mul3A_0, %arg0 : i32
    %mul3A_1 = arith.constant 64 : i32
    %mul3A_2 = arith.muli %add3A, %mul3A_1 : i32
    "tpu.region"() ({
      %run_scoped3A = tpu.sem_alloc : memref<!tpu.dma_semaphore, #tpu.memory_space<semaphore_mem>>
      %dma_start3A_7 = tpu.memref_slice %arg2[%mul3A_2] : memref<2048xi32, #tpu.memory_space<hbm>> -> memref<64xi32, #tpu.memory_space<hbm>>
      %dma_start3A_8 = tpu.memref_slice %arg2[%mul3A_2] : memref<2048xi32, #tpu.memory_space<hbm>> -> memref<64xi32, #tpu.memory_space<hbm>>
      tpu.enqueue_dma source(%dma_start3A_8 : memref<64xi32, #tpu.memory_space<hbm>>) target(%arg5 : memref<64xi32, #tpu.memory_space<vmem>>) target_semaphore(%run_scoped3A : memref<!tpu.dma_semaphore, #tpu.memory_space<semaphore_mem>>)
      %dma_wait3A_9 = tpu.memref_slice %arg2[%mul3A_2] : memref<2048xi32, #tpu.memory_space<hbm>> -> memref<64xi32, #tpu.memory_space<hbm>>
      %dma_wait3A_10 = tpu.memref_slice %arg2[%mul3A_2] : memref<2048xi32, #tpu.memory_space<hbm>> -> memref<64xi32, #tpu.memory_space<hbm>>
      tpu.wait_dma2 semaphore(%run_scoped3A : memref<!tpu.dma_semaphore, #tpu.memory_space<semaphore_mem>>) src(%dma_wait3A_10 : memref<64xi32, #tpu.memory_space<hbm>>) dst(%arg5 : memref<64xi32, #tpu.memory_space<vmem>>)
      tpu.yield
    }) : () -> ()
    %dma_start3A = arith.constant 0 : i32
    %dma_start3A_3 = arith.constant 0 : i32
    %dma_start3A_4 = tpu.memref_slice %arg3[%dma_start3A, %dma_start3A_3] : memref<2600x768xf32, #tpu.memory_space<hbm>> -> memref<2600x768xf32, #tpu.memory_space<hbm>>
    tpu.enqueue_indirect_dma source(%dma_start3A_4 : memref<2600x768xf32, #tpu.memory_space<hbm>>) target(%arg6 : memref<64x768xf32, #tpu.memory_space<vmem>>) offsets(%arg5 : memref<64xi32, #tpu.memory_space<vmem>>) semaphore(%arg7 : memref<!tpu.dma_semaphore, #tpu.memory_space<semaphore_mem>>)
    %dma_wait3A = arith.constant 0 : i32
    %dma_wait3A_5 = arith.constant 0 : i32
    %dma_wait3A_6 = tpu.memref_slice %arg3[%dma_wait3A, %dma_wait3A_5] : memref<2600x768xf32, #tpu.memory_space<hbm>> -> memref<2600x768xf32, #tpu.memory_space<hbm>>
    tpu.wait_indirect_dma semaphore(%arg7 : memref<!tpu.dma_semaphore, #tpu.memory_space<semaphore_mem>>) src(%dma_wait3A_6 : memref<2600x768xf32, #tpu.memory_space<hbm>>) dst(%arg6 : memref<64x768xf32, #tpu.memory_space<vmem>>)
    "tpu.region"() ({
      %run_scoped3A = tpu.sem_alloc : memref<!tpu.dma_semaphore, #tpu.memory_space<semaphore_mem>>
      %dma_start3A_7 = arith.constant 0 : i32
      %dma_start3A_8 = tpu.memref_slice %arg4[%mul3A_2, %dma_start3A_7] : memref<2048x768xf32, #tpu.memory_space<hbm>> -> memref<64x768xf32, #tpu.memory_space<hbm>>
      %dma_start3A_9 = arith.constant 0 : i32
      %dma_start3A_10 = tpu.memref_slice %arg4[%mul3A_2, %dma_start3A_9] : memref<2048x768xf32, #tpu.memory_space<hbm>> -> memref<64x768xf32, #tpu.memory_space<hbm>>
      tpu.enqueue_dma source(%arg6 : memref<64x768xf32, #tpu.memory_space<vmem>>) target(%dma_start3A_10 : memref<64x768xf32, #tpu.memory_space<hbm>>) target_semaphore(%run_scoped3A : memref<!tpu.dma_semaphore, #tpu.memory_space<semaphore_mem>>)
      %dma_wait3A_11 = arith.constant 0 : i32
      %dma_wait3A_12 = tpu.memref_slice %arg4[%mul3A_2, %dma_wait3A_11] : memref<2048x768xf32, #tpu.memory_space<hbm>> -> memref<64x768xf32, #tpu.memory_space<hbm>>
      %dma_wait3A_13 = arith.constant 0 : i32
      %dma_wait3A_14 = tpu.memref_slice %arg4[%mul3A_2, %dma_wait3A_13] : memref<2048x768xf32, #tpu.memory_space<hbm>> -> memref<64x768xf32, #tpu.memory_space<hbm>>
      tpu.wait_dma2 semaphore(%run_scoped3A : memref<!tpu.dma_semaphore, #tpu.memory_space<semaphore_mem>>) src(%arg6 : memref<64x768xf32, #tpu.memory_space<vmem>>) dst(%dma_wait3A_14 : memref<64x768xf32, #tpu.memory_space<hbm>>)
      tpu.yield
    }) : () -> ()
    return
  }
}

module attributes {stable_mosaic.version = 14 : i64} {
  func.func @_experts_body(%arg0: i32, %arg1: memref<40x768xf32, #tpu.memory_space<vmem>>, %arg2: memref<1x1536x768xf32, #tpu.memory_space<vmem>>, %arg3: memref<1x1x1536xf32, #tpu.memory_space<vmem>>, %arg4: memref<1x768x1536xf32, #tpu.memory_space<vmem>>, %arg5: memref<1x1x768xf32, #tpu.memory_space<vmem>>, %arg6: memref<40x768xf32, #tpu.memory_space<vmem>>) attributes {dimension_semantics = [#tpu.dimension_semantics<parallel>], iteration_bounds = array<i64: 65>, scalar_prefetch = 0 : i64, scratch_operands = 0 : i64, tpu.core_type = #tpu.core_type<tc>, window_params = [{transform_indices = @transform_0, window_bounds = array<i64: 40, 768>}, {transform_indices = @transform_1, window_bounds = array<i64: 1, 1536, 768>}, {transform_indices = @transform_2, window_bounds = array<i64: 1, 1, 1536>}, {transform_indices = @transform_3, window_bounds = array<i64: 1, 768, 1536>}, {transform_indices = @transform_4, window_bounds = array<i64: 1, 1, 768>}, {transform_indices = @transform_5, window_bounds = array<i64: 40, 768>}]} {
    %eq3A = arith.constant 64 : i32
    %eq3A_0 = arith.cmpi eq, %arg0, %eq3A : i32
    %convert_element_type3A = arith.extui %eq3A_0 : i1 to i32
    %cond3A = arith.constant 0 : i32
    %cond3A_1 = arith.cmpi ne, %convert_element_type3A, %cond3A : i32
    scf.if %cond3A_1 {
      %broadcast_in_dim3A = arith.constant 0.000000e+00 : f32
      %broadcast_in_dim3A_6 = vector.broadcast %broadcast_in_dim3A : f32 to vector<40x768xf32>
      %swap3A = arith.constant 0 : index
      %swap3A_7 = arith.constant 0 : index
      %swap3A_8 = vector.load %arg6[%swap3A, %swap3A_7] : memref<40x768xf32, #tpu.memory_space<vmem>>, vector<40x768xf32>
      tpu.vector_store %arg6[%swap3A, %swap3A_7], %broadcast_in_dim3A_6 {strides = array<i32>} : memref<40x768xf32, #tpu.memory_space<vmem>>, vector<40x768xf32>,
    } else {
    }
    %lt3A = arith.constant 64 : i32
    %lt3A_2 = arith.cmpi slt, %arg0, %lt3A : i32
    %convert_element_type3A_3 = arith.extui %lt3A_2 : i1 to i32
    %cond3A_4 = arith.constant 0 : i32
    %cond3A_5 = arith.cmpi ne, %convert_element_type3A_3, %cond3A_4 : i32
    scf.if %cond3A_5 {
      %get3A = arith.constant 0 : index
      %get3A_6 = arith.constant 0 : index
      %get3A_7 = vector.load %arg1[%get3A, %get3A_6] : memref<40x768xf32, #tpu.memory_space<vmem>>, vector<40x768xf32>
      %get3A_8 = arith.constant 0 : index
      %get3A_9 = arith.constant 0 : index
      %get3A_10 = arith.constant 0 : index
      %get3A_11 = vector.load %arg2[%get3A_8, %get3A_9, %get3A_10] : memref<1x1536x768xf32, #tpu.memory_space<vmem>>, vector<1x1536x768xf32>
      %get3A_12 = vector.shape_cast %get3A_11 : vector<1x1536x768xf32> to vector<1536x768xf32>
      %dot_general3A = arith.constant dense<0.000000e+00> : vector<40x1536xf32>
      %dot_general3A_13 = tpu.matmul %get3A_7, %get3A_12, %dot_general3A {dimension_numbers = #tpu.dot_dimension_numbers<[1], [1], [0], [0], [0, 0, 1, 0], [], []>, transpose_lhs_hint = false} : vector<40x768xf32>, vector<1536x768xf32>, vector<40x1536xf32> -> vector<40x1536xf32>
      %get3A_14 = arith.constant 0 : index
      %get3A_15 = arith.constant 0 : index
      %get3A_16 = arith.constant 0 : index
      %get3A_17 = vector.load %arg3[%get3A_14, %get3A_15, %get3A_16] : memref<1x1x1536xf32, #tpu.memory_space<vmem>>, vector<1x1x1536xf32>
      %get3A_18 = vector.shape_cast %get3A_17 : vector<1x1x1536xf32> to vector<1x1536xf32>
      %add3A = vector.broadcast %get3A_18 : vector<1x1536xf32> to vector<40x1536xf32>
      %add3A_19 = arith.addf %dot_general3A_13, %add3A : vector<40x1536xf32>
      %max3A = arith.constant 0.000000e+00 : f32
      %max3A_20 = vector.broadcast %max3A : f32 to vector<40x1536xf32>
      %max3A_21 = arith.maximumf %add3A_19, %max3A_20 : vector<40x1536xf32>
      %get3A_22 = arith.constant 0 : index
      %get3A_23 = arith.constant 0 : index
      %get3A_24 = arith.constant 0 : index
      %get3A_25 = vector.load %arg4[%get3A_22, %get3A_23, %get3A_24] : memref<1x768x1536xf32, #tpu.memory_space<vmem>>, vector<1x768x1536xf32>
      %get3A_26 = vector.shape_cast %get3A_25 : vector<1x768x1536xf32> to vector<768x1536xf32>
      %dot_general3A_27 = arith.constant dense<0.000000e+00> : vector<40x768xf32>
      %dot_general3A_28 = tpu.matmul %max3A_21, %get3A_26, %dot_general3A_27 {dimension_numbers = #tpu.dot_dimension_numbers<[1], [1], [0], [0], [0, 0, 1, 0], [], []>, transpose_lhs_hint = false} : vector<40x1536xf32>, vector<768x1536xf32>, vector<40x768xf32> -> vector<40x768xf32>
      %get3A_29 = arith.constant 0 : index
      %get3A_30 = arith.constant 0 : index
      %get3A_31 = arith.constant 0 : index
      %get3A_32 = vector.load %arg5[%get3A_29, %get3A_30, %get3A_31] : memref<1x1x768xf32, #tpu.memory_space<vmem>>, vector<1x1x768xf32>
      %get3A_33 = vector.shape_cast %get3A_32 : vector<1x1x768xf32> to vector<1x768xf32>
      %add3A_34 = vector.broadcast %get3A_33 : vector<1x768xf32> to vector<40x768xf32>
      %add3A_35 = arith.addf %dot_general3A_28, %add3A_34 : vector<40x768xf32>
      %swap3A = arith.constant 0 : index
      %swap3A_36 = arith.constant 0 : index
      %swap3A_37 = vector.load %arg6[%swap3A, %swap3A_36] : memref<40x768xf32, #tpu.memory_space<vmem>>, vector<40x768xf32>
      tpu.vector_store %arg6[%swap3A, %swap3A_36], %add3A_35 {strides = array<i32>} : memref<40x768xf32, #tpu.memory_space<vmem>>, vector<40x768xf32>,
    } else {
    }
    return
  }
  func.func @transform_0(%arg0: i32) -> (i32, i32) {
    %min3A = arith.constant 63 : i32
    %min3A_0 = arith.minsi %arg0, %min3A : i32
    %c0_i32 = arith.constant 0 : i32
    %c0_i32_1 = arith.constant 0 : i32
    return %min3A_0, %c0_i32 : i32, i32
  }
  func.func @transform_1(%arg0: i32) -> (i32, i32, i32) {
    %min3A = arith.constant 63 : i32
    %min3A_0 = arith.minsi %arg0, %min3A : i32
    %c0_i32 = arith.constant 0 : i32
    %c0_i32_1 = arith.constant 0 : i32
    %c0_i32_2 = arith.constant 0 : i32
    return %min3A_0, %c0_i32, %c0_i32_1 : i32, i32, i32
  }
  func.func @transform_2(%arg0: i32) -> (i32, i32, i32) {
    %min3A = arith.constant 63 : i32
    %min3A_0 = arith.minsi %arg0, %min3A : i32
    %c0_i32 = arith.constant 0 : i32
    %c0_i32_1 = arith.constant 0 : i32
    %c0_i32_2 = arith.constant 0 : i32
    return %min3A_0, %c0_i32, %c0_i32_1 : i32, i32, i32
  }
  func.func @transform_3(%arg0: i32) -> (i32, i32, i32) {
    %min3A = arith.constant 63 : i32
    %min3A_0 = arith.minsi %arg0, %min3A : i32
    %c0_i32 = arith.constant 0 : i32
    %c0_i32_1 = arith.constant 0 : i32
    %c0_i32_2 = arith.constant 0 : i32
    return %min3A_0, %c0_i32, %c0_i32_1 : i32, i32, i32
  }
  func.func @transform_4(%arg0: i32) -> (i32, i32, i32) {
    %min3A = arith.constant 63 : i32
    %min3A_0 = arith.minsi %arg0, %min3A : i32
    %c0_i32 = arith.constant 0 : i32
    %c0_i32_1 = arith.constant 0 : i32
    %c0_i32_2 = arith.constant 0 : i32
    return %min3A_0, %c0_i32, %c0_i32_1 : i32, i32, i32
  }
  func.func @transform_5(%arg0: i32) -> (i32, i32) {
    %c0_i32 = arith.constant 0 : i32
    %c0_i32_0 = arith.constant 0 : i32
    return %arg0, %c0_i32 : i32, i32
  }
}

module attributes {stable_mosaic.version = 14 : i64} {
  func.func @_router_body(%arg0: i32, %arg1: memref<512x768xf32, #tpu.memory_space<vmem>>, %arg2: memref<64x768xf32, #tpu.memory_space<vmem>>, %arg3: memref<1x1x512xi32, #tpu.memory_space<vmem>>, %arg4: memref<1x1x64xi32, #tpu.memory_space<vmem>>, %arg5: memref<1x1x64xf32, #tpu.memory_space<vmem>>, %arg6: memref<1x1x8xf32, #tpu.memory_space<vmem>>, %arg7: memref<1x64xf32, #tpu.memory_space<vmem>>) attributes {dimension_semantics = [#tpu.dimension_semantics<arbitrary>], iteration_bounds = array<i64: 4>, scalar_prefetch = 0 : i64, scratch_operands = 1 : i64, tpu.core_type = #tpu.core_type<tc>, window_params = [{transform_indices = @transform_0, window_bounds = array<i64: 512, 768>}, {pipeline_mode = #tpu.pipeline_mode<synchronous>, transform_indices = @transform_1, window_bounds = array<i64: 64, 768>}, {transform_indices = @transform_2, window_bounds = array<i64: 1, 1, 512>}, {pipeline_mode = #tpu.pipeline_mode<synchronous>, transform_indices = @transform_3, window_bounds = array<i64: 1, 1, 64>}, {pipeline_mode = #tpu.pipeline_mode<synchronous>, transform_indices = @transform_4, window_bounds = array<i64: 1, 1, 64>}, {pipeline_mode = #tpu.pipeline_mode<synchronous>, transform_indices = @transform_5, window_bounds = array<i64: 1, 1, 8>}]} {
    %get3A = arith.constant 0 : index
    %get3A_0 = arith.constant 0 : index
    %get3A_1 = vector.load %arg1[%get3A, %get3A_0] : memref<512x768xf32, #tpu.memory_space<vmem>>, vector<512x768xf32>
    %get3A_2 = arith.constant 0 : index
    %get3A_3 = arith.constant 0 : index
    %get3A_4 = vector.load %arg2[%get3A_2, %get3A_3] : memref<64x768xf32, #tpu.memory_space<vmem>>, vector<64x768xf32>
    %dot_general3A = arith.constant dense<0.000000e+00> : vector<512x64xf32>
    %dot_general3A_5 = tpu.matmul %get3A_1, %get3A_4, %dot_general3A {dimension_numbers = #tpu.dot_dimension_numbers<[1], [1], [0], [0], [0, 0, 1, 0], [], []>, transpose_lhs_hint = false} : vector<512x768xf32>, vector<64x768xf32>, vector<512x64xf32> -> vector<512x64xf32>
    %reduce_max3A = arith.constant dense<0xFF800000> : vector<512xf32>
    %reduce_max3A_6 = vector.multi_reduction <maximumf>, %dot_general3A_5, %reduce_max3A [1] : vector<512x64xf32> to vector<512xf32>
    %broadcast_in_dim3A = vector.shape_cast %reduce_max3A_6 : vector<512xf32> to vector<512x1xf32>
    %sub3A = vector.broadcast %broadcast_in_dim3A : vector<512x1xf32> to vector<512x64xf32>
    %sub3A_7 = arith.subf %dot_general3A_5, %sub3A : vector<512x64xf32>
    %exp3A = math.exp %sub3A_7 : vector<512x64xf32>
    %reduce_sum3A = arith.constant dense<0.000000e+00> : vector<512xf32>
    %reduce_sum3A_8 = vector.multi_reduction <add>, %exp3A, %reduce_sum3A [1] : vector<512x64xf32> to vector<512xf32>
    %broadcast_in_dim3A_9 = vector.shape_cast %reduce_sum3A_8 : vector<512xf32> to vector<512x1xf32>
    %div3A = vector.broadcast %broadcast_in_dim3A_9 : vector<512x1xf32> to vector<512x64xf32>
    %div3A_10 = arith.divf %exp3A, %div3A : vector<512x64xf32>
    %log3A = math.log %broadcast_in_dim3A_9 : vector<512x1xf32>
    %add3A = arith.addf %broadcast_in_dim3A, %log3A : vector<512x1xf32>
    %mul3A = arith.mulf %add3A, %add3A : vector<512x1xf32>
    %reduce_sum3A_11 = vector.shape_cast %mul3A : vector<512x1xf32> to vector<1x512x1xf32>
    %reduce_sum3A_12 = arith.constant dense<0.000000e+00> : vector<1xf32>
    %reduce_sum3A_13 = vector.multi_reduction <add>, %reduce_sum3A_11, %reduce_sum3A_12 [1, 2] : vector<1x512x1xf32> to vector<1xf32>
    %reduce_sum3A_14 = vector.shape_cast %reduce_sum3A_13 : vector<1xf32> to vector<1x1x1xf32>
    %reduce_sum3A_15 = vector.extract %reduce_sum3A_14[0, 0, 0] : f32 from vector<1x1x1xf32>
    %iota3A = tpu.iota {dimensions = array<i32: 1>} : vector<512x64xi32>
    %eq3A = vector.broadcast %broadcast_in_dim3A : vector<512x1xf32> to vector<512x64xf32>
    %eq3A_16 = arith.cmpf oeq, %dot_general3A_5, %eq3A : vector<512x64xf32>
    %jit3A = arith.constant 64 : i32
    %broadcast_in_dim3A_17 = vector.broadcast %jit3A : i32 to vector<512x64xi32>
    %select_n3A = arith.select %eq3A_16, %iota3A, %broadcast_in_dim3A_17 : vector<512x64xi1>, vector<512x64xi32>
    %reduce_min3A = arith.constant dense<2147483647> : vector<512xi32>
    %reduce_min3A_18 = vector.multi_reduction <minsi>, %select_n3A, %reduce_min3A [1] : vector<512x64xi32> to vector<512xi32>
    %broadcast_in_dim3A_19 = vector.shape_cast %reduce_min3A_18 : vector<512xi32> to vector<512x1xi32>
    %eq3A_20 = vector.broadcast %broadcast_in_dim3A_19 : vector<512x1xi32> to vector<512x64xi32>
    %eq3A_21 = arith.cmpi eq, %iota3A, %eq3A_20 : vector<512x64xi32>
    %convert_element_type3A = arith.extui %eq3A_21 : vector<512x64xi1> to vector<512x64xi32>
    %convert_element_type3A_22 = arith.sitofp %convert_element_type3A : vector<512x64xi32> to vector<512x64xf32>
    %iota3A_23 = tpu.iota {dimensions = array<i32: 0>} : vector<512x512xi32>
    %iota3A_24 = tpu.iota {dimensions = array<i32: 1>} : vector<512x512xi32>
    %le3A = arith.cmpi sle, %iota3A_24, %iota3A_23 : vector<512x512xi32>
    %convert_element_type3A_25 = arith.extui %le3A : vector<512x512xi1> to vector<512x512xi32>
    %convert_element_type3A_26 = arith.sitofp %convert_element_type3A_25 : vector<512x512xi32> to vector<512x512xf32>
    %dot_general3A_27 = arith.constant dense<0.000000e+00> : vector<512x64xf32>
    %dot_general3A_28 = tpu.matmul %convert_element_type3A_26, %convert_element_type3A_22, %dot_general3A_27 {dimension_numbers = #tpu.dot_dimension_numbers<[1], [0], [0], [1], [0, 0, 1, 1], [], []>, transpose_lhs_hint = false} : vector<512x512xf32>, vector<512x64xf32>, vector<512x64xf32> -> vector<512x64xf32>
    %eq3A_29 = arith.constant 0 : i32
    %eq3A_30 = arith.cmpi eq, %arg0, %eq3A_29 : i32
    %convert_element_type3A_31 = arith.extui %eq3A_30 : i1 to i32
    %cond3A = arith.constant 0 : i32
    %cond3A_32 = arith.cmpi ne, %convert_element_type3A_31, %cond3A : i32
    scf.if %cond3A_32 {
      %broadcast_in_dim3A_86 = arith.constant 0.000000e+00 : f32
      %broadcast_in_dim3A_87 = vector.broadcast %broadcast_in_dim3A_86 : f32 to vector<1x64xf32>
      %swap3A_88 = arith.constant 0 : index
      %swap3A_89 = arith.constant 0 : index
      %swap3A_90 = vector.load %arg7[%swap3A_88, %swap3A_89] : memref<1x64xf32, #tpu.memory_space<vmem>>, vector<1x64xf32>
      tpu.vector_store %arg7[%swap3A_88, %swap3A_89], %broadcast_in_dim3A_87 {strides = array<i32>} : memref<1x64xf32, #tpu.memory_space<vmem>>, vector<1x64xf32>,
    } else {
    }
    %get3A_33 = arith.constant 0 : index
    %get3A_34 = arith.constant 0 : index
    %get3A_35 = vector.load %arg7[%get3A_33, %get3A_34] : memref<1x64xf32, #tpu.memory_space<vmem>>, vector<1x64xf32>
    %add3A_36 = vector.broadcast %get3A_35 : vector<1x64xf32> to vector<512x64xf32>
    %add3A_37 = arith.addf %add3A_36, %dot_general3A_28 : vector<512x64xf32>
    %sub3A_38 = arith.constant 1.000000e+00 : f32
    %sub3A_39 = vector.broadcast %sub3A_38 : f32 to vector<512x64xf32>
    %sub3A_40 = arith.subf %add3A_37, %sub3A_39 : vector<512x64xf32>
    %get3A_41 = arith.constant 0 : index
    %get3A_42 = arith.constant 0 : index
    %get3A_43 = vector.load %arg7[%get3A_41, %get3A_42] : memref<1x64xf32, #tpu.memory_space<vmem>>, vector<1x64xf32>
    %reduce_sum3A_44 = arith.constant dense<0.000000e+00> : vector<64xf32>
    %reduce_sum3A_45 = vector.multi_reduction <add>, %convert_element_type3A_22, %reduce_sum3A_44 [0] : vector<512x64xf32> to vector<64xf32>
    %broadcast_in_dim3A_46 = vector.shape_cast %reduce_sum3A_45 : vector<64xf32> to vector<1x64xf32>
    %add3A_47 = arith.addf %get3A_43, %broadcast_in_dim3A_46 : vector<1x64xf32>
    %swap3A = arith.constant 0 : index
    %swap3A_48 = arith.constant 0 : index
    %swap3A_49 = vector.load %arg7[%swap3A, %swap3A_48] : memref<1x64xf32, #tpu.memory_space<vmem>>, vector<1x64xf32>
    tpu.vector_store %arg7[%swap3A, %swap3A_48], %add3A_47 {strides = array<i32>} : memref<1x64xf32, #tpu.memory_space<vmem>>, vector<1x64xf32>,
    %mul3A_50 = arith.mulf %convert_element_type3A_22, %sub3A_40 : vector<512x64xf32>
    %reduce_sum3A_51 = arith.constant dense<0.000000e+00> : vector<512xf32>
    %reduce_sum3A_52 = vector.multi_reduction <add>, %mul3A_50, %reduce_sum3A_51 [1] : vector<512x64xf32> to vector<512xf32>
    %lt3A = arith.constant 4.000000e+01 : f32
    %lt3A_53 = vector.broadcast %lt3A : f32 to vector<512xf32>
    %lt3A_54 = arith.cmpf olt, %reduce_sum3A_52, %lt3A_53 : vector<512xf32>
    %squeeze3A = vector.shape_cast %broadcast_in_dim3A_19 : vector<512x1xi32> to vector<512xi32>
    %mul3A_55 = arith.constant 40 : i32
    %mul3A_56 = vector.broadcast %mul3A_55 : i32 to vector<512xi32>
    %mul3A_57 = arith.muli %squeeze3A, %mul3A_56 : vector<512xi32>
    %convert_element_type3A_58 = arith.fptosi %reduce_sum3A_52 : vector<512xf32> to vector<512xi32>
    %add3A_59 = arith.addi %mul3A_57, %convert_element_type3A_58 : vector<512xi32>
    %jit3A_60 = arith.constant 2560 : i32
    %broadcast_in_dim3A_61 = vector.broadcast %jit3A_60 : i32 to vector<512xi32>
    %select_n3A_62 = arith.select %lt3A_54, %add3A_59, %broadcast_in_dim3A_61 : vector<512xi1>, vector<512xi32>
    %reshape3A = vector.shape_cast %select_n3A_62 : vector<512xi32> to vector<1x1x512xi32>
    %swap3A_63 = arith.constant 0 : index
    %swap3A_64 = arith.constant 0 : index
    %swap3A_65 = arith.constant 0 : index
    %swap3A_66 = vector.load %arg3[%swap3A_63, %swap3A_64, %swap3A_65] : memref<1x1x512xi32, #tpu.memory_space<vmem>>, vector<1x1x512xi32>
    tpu.vector_store %arg3[%swap3A_63, %swap3A_64, %swap3A_65], %reshape3A {strides = array<i32>} : memref<1x1x512xi32, #tpu.memory_space<vmem>>, vector<1x1x512xi32>,
    %reduce_sum3A_67 = arith.constant dense<0.000000e+00> : vector<64xf32>
    %reduce_sum3A_68 = vector.multi_reduction <add>, %div3A_10, %reduce_sum3A_67 [0] : vector<512x64xf32> to vector<64xf32>
    %broadcast_in_dim3A_69 = vector.shape_cast %reduce_sum3A_68 : vector<64xf32> to vector<1x64xf32>
    %reshape3A_70 = vector.shape_cast %broadcast_in_dim3A_69 : vector<1x64xf32> to vector<1x1x64xf32>
    %broadcast_in_dim3A_71 = vector.broadcast %reduce_sum3A_15 : f32 to vector<1x1x8xf32>
    %eq3A_72 = arith.constant 0 : i32
    %eq3A_73 = arith.cmpi eq, %arg0, %eq3A_72 : i32
    %convert_element_type3A_74 = arith.extui %eq3A_73 : i1 to i32
    %cond3A_75 = arith.constant 0 : i32
    %cond3A_76 = arith.cmpi ne, %convert_element_type3A_74, %cond3A_75 : i32
    scf.if %cond3A_76 {
      %swap3A_86 = arith.constant 0 : index
      %swap3A_87 = arith.constant 0 : index
      %swap3A_88 = arith.constant 0 : index
      %swap3A_89 = vector.load %arg5[%swap3A_86, %swap3A_87, %swap3A_88] : memref<1x1x64xf32, #tpu.memory_space<vmem>>, vector<1x1x64xf32>
      tpu.vector_store %arg5[%swap3A_86, %swap3A_87, %swap3A_88], %reshape3A_70 {strides = array<i32>} : memref<1x1x64xf32, #tpu.memory_space<vmem>>, vector<1x1x64xf32>,
      %swap3A_90 = arith.constant 0 : index
      %swap3A_91 = arith.constant 0 : index
      %swap3A_92 = arith.constant 0 : index
      %swap3A_93 = vector.load %arg6[%swap3A_90, %swap3A_91, %swap3A_92] : memref<1x1x8xf32, #tpu.memory_space<vmem>>, vector<1x1x8xf32>
      tpu.vector_store %arg6[%swap3A_90, %swap3A_91, %swap3A_92], %broadcast_in_dim3A_71 {strides = array<i32>} : memref<1x1x8xf32, #tpu.memory_space<vmem>>, vector<1x1x8xf32>,
    } else {
    }
    %gt3A = arith.constant 0 : i32
    %gt3A_77 = arith.cmpi sgt, %arg0, %gt3A : i32
    %convert_element_type3A_78 = arith.extui %gt3A_77 : i1 to i32
    %cond3A_79 = arith.constant 0 : i32
    %cond3A_80 = arith.cmpi ne, %convert_element_type3A_78, %cond3A_79 : i32
    scf.if %cond3A_80 {
      %get3A_86 = arith.constant 0 : index
      %get3A_87 = arith.constant 0 : index
      %get3A_88 = arith.constant 0 : index
      %get3A_89 = vector.load %arg5[%get3A_86, %get3A_87, %get3A_88] : memref<1x1x64xf32, #tpu.memory_space<vmem>>, vector<1x1x64xf32>
      %add3A_90 = arith.addf %get3A_89, %reshape3A_70 : vector<1x1x64xf32>
      %swap3A_91 = arith.constant 0 : index
      %swap3A_92 = arith.constant 0 : index
      %swap3A_93 = arith.constant 0 : index
      %swap3A_94 = vector.load %arg5[%swap3A_91, %swap3A_92, %swap3A_93] : memref<1x1x64xf32, #tpu.memory_space<vmem>>, vector<1x1x64xf32>
      tpu.vector_store %arg5[%swap3A_91, %swap3A_92, %swap3A_93], %add3A_90 {strides = array<i32>} : memref<1x1x64xf32, #tpu.memory_space<vmem>>, vector<1x1x64xf32>,
      %get3A_95 = arith.constant 0 : index
      %get3A_96 = arith.constant 0 : index
      %get3A_97 = arith.constant 0 : index
      %get3A_98 = vector.load %arg6[%get3A_95, %get3A_96, %get3A_97] : memref<1x1x8xf32, #tpu.memory_space<vmem>>, vector<1x1x8xf32>
      %add3A_99 = arith.addf %get3A_98, %broadcast_in_dim3A_71 : vector<1x1x8xf32>
      %swap3A_100 = arith.constant 0 : index
      %swap3A_101 = arith.constant 0 : index
      %swap3A_102 = arith.constant 0 : index
      %swap3A_103 = vector.load %arg6[%swap3A_100, %swap3A_101, %swap3A_102] : memref<1x1x8xf32, #tpu.memory_space<vmem>>, vector<1x1x8xf32>
      tpu.vector_store %arg6[%swap3A_100, %swap3A_101, %swap3A_102], %add3A_99 {strides = array<i32>} : memref<1x1x8xf32, #tpu.memory_space<vmem>>, vector<1x1x8xf32>,
    } else {
    }
    %eq3A_81 = arith.constant 3 : i32
    %eq3A_82 = arith.cmpi eq, %arg0, %eq3A_81 : i32
    %convert_element_type3A_83 = arith.extui %eq3A_82 : i1 to i32
    %cond3A_84 = arith.constant 0 : i32
    %cond3A_85 = arith.cmpi ne, %convert_element_type3A_83, %cond3A_84 : i32
    scf.if %cond3A_85 {
      %get3A_86 = arith.constant 0 : index
      %get3A_87 = arith.constant 0 : index
      %get3A_88 = vector.load %arg7[%get3A_86, %get3A_87] : memref<1x64xf32, #tpu.memory_space<vmem>>, vector<1x64xf32>
      %min3A = arith.constant 4.000000e+01 : f32
      %min3A_89 = vector.broadcast %min3A : f32 to vector<1x64xf32>
      %min3A_90 = arith.minimumf %get3A_88, %min3A_89 : vector<1x64xf32>
      %convert_element_type3A_91 = arith.fptosi %min3A_90 : vector<1x64xf32> to vector<1x64xi32>
      %reshape3A_92 = vector.shape_cast %convert_element_type3A_91 : vector<1x64xi32> to vector<1x1x64xi32>
      %swap3A_93 = arith.constant 0 : index
      %swap3A_94 = arith.constant 0 : index
      %swap3A_95 = arith.constant 0 : index
      %swap3A_96 = vector.load %arg4[%swap3A_93, %swap3A_94, %swap3A_95] : memref<1x1x64xi32, #tpu.memory_space<vmem>>, vector<1x1x64xi32>
      tpu.vector_store %arg4[%swap3A_93, %swap3A_94, %swap3A_95], %reshape3A_92 {strides = array<i32>} : memref<1x1x64xi32, #tpu.memory_space<vmem>>, vector<1x1x64xi32>,
    } else {
    }
    return
  }
  func.func @transform_0(%arg0: i32) -> (i32, i32) {
    %c0_i32 = arith.constant 0 : i32
    %c0_i32_0 = arith.constant 0 : i32
    return %arg0, %c0_i32 : i32, i32
  }
  func.func @transform_1(%arg0: i32) -> (i32, i32) {
    %c0_i32 = arith.constant 0 : i32
    %c0_i32_0 = arith.constant 0 : i32
    %c0_i32_1 = arith.constant 0 : i32
    return %c0_i32, %c0_i32_0 : i32, i32
  }
  func.func @transform_2(%arg0: i32) -> (i32, i32, i32) {
    %c0_i32 = arith.constant 0 : i32
    %c0_i32_0 = arith.constant 0 : i32
    %c0_i32_1 = arith.constant 0 : i32
    return %arg0, %c0_i32, %c0_i32_0 : i32, i32, i32
  }
  func.func @transform_3(%arg0: i32) -> (i32, i32, i32) {
    %c0_i32 = arith.constant 0 : i32
    %c0_i32_0 = arith.constant 0 : i32
    %c0_i32_1 = arith.constant 0 : i32
    %c0_i32_2 = arith.constant 0 : i32
    return %c0_i32, %c0_i32_0, %c0_i32_1 : i32, i32, i32
  }
  func.func @transform_4(%arg0: i32) -> (i32, i32, i32) {
    %c0_i32 = arith.constant 0 : i32
    %c0_i32_0 = arith.constant 0 : i32
    %c0_i32_1 = arith.constant 0 : i32
    %c0_i32_2 = arith.constant 0 : i32
    return %c0_i32, %c0_i32_0, %c0_i32_1 : i32, i32, i32
  }
  func.func @transform_5(%arg0: i32) -> (i32, i32, i32) {
    %c0_i32 = arith.constant 0 : i32
    %c0_i32_0 = arith.constant 0 : i32
    %c0_i32_1 = arith.constant 0 : i32
    %c0_i32_2 = arith.constant 0 : i32
    return %c0_i32, %c0_i32_0, %c0_i32_1 : i32, i32, i32
  }
}

</mosaic_0001>

<sc_bundles>
// kernel: kernel.6.cloned.1.call-start
scs
__scs_entry_jumppad:
0x0: {  	(pc) =	sbr.rel $0x88, $3  }
0x1: {  	(tag) =	ssettag $0x0;
	lr =	simm.s32 $0x1  }
0x2: {  	[smem:$0x3F9B] =	sst lr;
	_ =	strace $0xD0000000  }
0x3: {  	_ = 	snop  }
0x4: {  	_ = 	snop  }
0x5: {  	_ = 	snop  }
0x6: {  	_ = 	snop  }
0x7: {  	_ = 	snop  }
__scs_overlays_trampoline_lowered:
0x8: {  	[smem:$0x3FAA] =	sst s0  }
0x9: {  	[smem:$0x3FAB] =	sst s1  }
0xa: {  	[smem:$0x3FAC] =	sst s2  }
0xb: {  	[smem:$0x3FAD] =	sst s3  }
0xc: {  	[smem:$0x3FAE] =	sst s4  }
0xd: {  	[smem:$0x3FAF] =	sst s5  }
0xe: {  	[smem:$0x3FB0] =	sst s6  }
0xf: {  	[smem:$0x3FB1] =	sst s7  }
0x10: {  	[smem:$0x3FB2] =	sst s8  }
0x11: {  	[smem:$0x3FB3] =	sst s9;
	s0 =	simm.s32 @!p0 $0x0  }
0x12: {  	s1 =	sld [smem:$0x3F99];
	s0 =	simm.s32 @p0 $0x1  }
0x13: {  	[smem:$0x3FB4] =	sst s0;
	s0 =	simm.s32 @!p1 $0x0  }
0x14: {  	s2 =	sld [smem:$0x3F98];
	s0 =	simm.s32 @p1 $0x1  }
0x15: {  	[smem:$0x3FB5] =	sst s0;
	s0 =	simm.s32 @!p2 $0x0  }
0x16: {  	s3 =	sld [smem:$0x3FDB];
	s0 =	simm.s32 @p2 $0x1  }
0x17: {  	s4 =	simm.s32 $0x1BF5;
	[smem:$0x3FB7] =	sst s0  }
0x18: {  	s0 =	sld [smem:$0x3F9A];
	_ =	swait.ge [sflag:s4], $0x0  }
0x19: {  	s7 =	sld [smem:$0x3F9B]  }
0x1a: {  	s8 =	sadd.s32 $0xFFFFE003, lr  }
0x1b: {  	s9 =	sadd.s32 $0xFFFFFEF7, lr;
	s5 =	simm.s32 $0xFFFFFFFF;
	p2 =	slt.u32 s8, $0xFFFFF086  }
0x1c: {  	p1 =	slt.u32 s9, $0xF7A;
	s5 =	simm.s32 @!p2 $0x0  }
0x1d: {  	s5 =	simm.s32 @p1 $0x1;
	p0 =	seq.s32 s7, s2  }
0x1e: {  	s7 =	smul.u32 @!p0 $0xF7A, s2;
	p2 =	seq.s32 @!p0 s5, $0x0  }
0x1f: {  	s9 =	smul.u32 $0xF7A, s1;
	s8 =	simm.s32 @!p0 $0x1BF5;
	p2 =	por !p2, p0  }
0x20: {  	[sflag:s8] =	ssyncset.s32 @!p0 $0xFFFFF086;
	s6 =	sadd.s32 @!p0 s3, s7;
	s7 =	simm.s32 @!p0 $0x108  }
0x21: {  	s3 =	sadd.s32 s3, s9;
	s6 =	sadd.s32 @!p0 $0x88, s6;
	s7 =	simm.s32 @p2 $0x1082  }
0x22: {  	[simem:s7], [sflag:s8] =	dma.local @!p0 [hbm:s6], $0xF7A  }
0x23: {  	s9 =	sor.u32 $0xD0000000, s2;
	s6 =	simm.s32 $0x108;
	_ =	swait.ge @!p0 [sflag:s8], $0x0  }
0x24: {  	s3 =	sadd.s32 $0x88, s3;
	s6 =	simm.s32 @!p1 $0x1082;
	[sflag:s4] =	ssyncset.s32 $0xFFFFF086  }
0x25: {  	[simem:s6], [sflag:s4] =	dma.local [hbm:s3], $0xF7A  }
0x26: {  	[smem:$0x3F9B] =	sst s1;
	(tag) =	ssettag s2;
	_ =	strace s9  }
0x27: {  	s1 =	sld [smem:$0x3FAB]  }
0x28: {  	s2 =	sld [smem:$0x3FAC]  }
0x29: {  	s4 =	sld [smem:$0x3FAE]  }
0x2a: {  	p0 =	seq.s32 s5, $0x0;
	s5 =	sld [smem:$0x3FAF]  }
0x2b: {  	s6 =	sld [smem:$0x3FB0]  }
0x2c: {  	s7 =	sld [smem:$0x3FB1]  }
0x2d: {  	s3 =	simm.s32 $0x108;
	s8 =	sld [smem:$0x3FB2]  }
0x2e: {  	s3 =	simm.s32 @!p0 $0x1082;
	s9 =	sld [smem:$0x3FB3]  }
0x2f: {  	lr =	sadd.s32 s0, s3;
	s0 =	sld [smem:$0x3FAA]  }
0x30: {  	s3 =	sld [smem:$0x3FAD]  }
0x31: {  	[smem:$0x3FB6] =	sst s10  }
0x32: {  	s10 =	sld [smem:$0x3FB4];
	_ =	sdelay $0x3  }
0x33: {  	p0 =	seq.s32 s10, $0x1;
	s10 =	sld [smem:$0x3FB6];
	_ =	sdelay $0x3  }
0x34: {  	[smem:$0x3FB6] =	sst s10  }
0x35: {  	s10 =	sld [smem:$0x3FB5];
	_ =	sdelay $0x3  }
0x36: {  	p1 =	seq.s32 s10, $0x1;
	s10 =	sld [smem:$0x3FB6];
	_ =	sdelay $0x3  }
0x37: {  	[smem:$0x3FB6] =	sst s10  }
0x38: {  	s10 =	sld [smem:$0x3FB7]  }
0x39: {  	_ = 	snop;
	(pc) =	sbr.ind lr, $3  }
0x3a: {  	_ = 	snop  }
0x3b: {  	_ = 	snop  }
0x3c: {  	p2 =	seq.s32 s10, $0x1;
	s10 =	sld [smem:$0x3FB6]  }
0x3d: {  	_ =	shalt  }
0x3e: {  	_ =	shalt  }
0x3f: {  	_ =	shalt  }
0x40: {  	_ =	shalt  }
0x41: {  	_ =	shalt  }
0x42: {  	_ =	shalt  }
0x43: {  	_ =	shalt  }
0x44: {  	_ =	shalt  }
0x45: {  	_ =	shalt  }
0x46: {  	_ =	shalt  }
0x47: {  	_ =	shalt  }
0x48: {  	_ =	shalt  }
0x49: {  	_ =	shalt  }
0x4a: {  	_ =	shalt  }
0x4b: {  	_ =	shalt  }
0x4c: {  	_ =	shalt  }
0x4d: {  	_ =	shalt  }
0x4e: {  	_ =	shalt  }
0x4f: {  	_ =	shalt  }
0x50: {  	_ =	shalt  }
0x51: {  	_ =	shalt  }
0x52: {  	_ =	shalt  }
0x53: {  	_ =	shalt  }
0x54: {  	_ =	shalt  }
0x55: {  	_ =	shalt  }
0x56: {  	_ =	shalt  }
0x57: {  	_ =	shalt  }
0x58: {  	_ =	shalt  }
0x59: {  	_ =	shalt  }
0x5a: {  	_ =	shalt  }
0x5b: {  	_ =	shalt  }
0x5c: {  	_ =	shalt  }
0x5d: {  	_ =	shalt  }
0x5e: {  	_ =	shalt  }
0x5f: {  	_ =	shalt  }
0x60: {  	_ =	shalt  }
0x61: {  	_ =	shalt  }
0x62: {  	_ =	shalt  }
0x63: {  	_ =	shalt  }
0x64: {  	_ =	shalt  }
0x65: {  	_ =	shalt  }
0x66: {  	_ =	shalt  }
0x67: {  	_ =	shalt  }
0x68: {  	_ =	shalt  }
0x69: {  	_ =	shalt  }
0x6a: {  	_ =	shalt  }
0x6b: {  	_ =	shalt  }
0x6c: {  	_ =	shalt  }
0x6d: {  	_ =	shalt  }
0x6e: {  	_ =	shalt  }
0x6f: {  	_ =	shalt  }
0x70: {  	_ =	shalt  }
0x71: {  	_ =	shalt  }
0x72: {  	_ =	shalt  }
0x73: {  	_ =	shalt  }
0x74: {  	_ =	shalt  }
0x75: {  	_ =	shalt  }
0x76: {  	_ =	shalt  }
0x77: {  	_ =	shalt  }
0x78: {  	_ =	shalt  }
0x79: {  	_ =	shalt  }
0x7a: {  	_ =	shalt  }
0x7b: {  	_ =	shalt  }
0x7c: {  	_ =	shalt  }
0x7d: {  	_ =	shalt  }
0x7e: {  	_ =	shalt  }
0x7f: {  	_ =	shalt  }
0x80: {  	_ =	shalt  }
0x81: {  	_ =	shalt  }
0x82: {  	_ =	shalt  }
0x83: {  	_ =	shalt  }
0x84: {  	_ =	shalt  }
0x85: {  	_ =	shalt  }
0x86: {  	_ =	shalt  }
0x87: {  	_ =	shalt  }
.Lfunc_end0:
.L_simem_size_0:
called_computation_lowered:
.L_overlay_start_0:
0x88: {  	s2 =	sld [smem:$0x3FD9]  }
0x89: {  	s3 =	sld [smem:$0x3FFE];
	_ =	sdelay $0x1  }
0x8a: {  	s1 =	srdreg.scid  }
0x8b: {  	s0 =	sand.u32 $0x1, s1  }
0x8c: {  	s17 =	sshll.u32 s0, $0xA;
	s2 =	sadd.s32 s3, s2  }
0x8d: {  	s2 =	sadd.s32 s2, s17  }
0x8e: {  	[smem:$0x3FC2] =	sst s2  }
0x8f: {  	_ = 	snop  }
0x90: {  	s2 =	sld [smem:$0x3FC9];
	(tm) =	ssettm $0x1  }
0x91: {  	s18 =	sld [smem:$0x3FFB];
	_ =	sdelay $0x3  }
0x92: {  	_ =	strace s18  }
0x93: {  	s3 =	sld [smem:$0x3FFC];
	_ =	sdelay $0x3  }
0x94: {  	_ =	strace s3  }
0x95: {  	s3 =	sld [smem:$0x3FFD];
	_ =	sdelay $0x3  }
0x96: {  	_ =	strace s3  }
0x97: {  	_ =	strace $0x8FFFFFFF  }
0x98: {  	s19 =	sld [smem:$0x3FDB];
	_ =	sdelay $0x1  }
0x99: {  	s4 =	simm.s32 $_scs_section_size  }
0x9a: {  	s5 =	simm.s32 $_size__tile_overlayer_lowered;
	s6 =	simm.s32 $_tile_overlayer_lowered  }
0x9b: {  	s22 =	simm.s32 $0x1BFF;
	s21 =	sshll.u32 s6, $0x1;
	s3 =	sadd.s32 s4, s19  }
0x9c: {  	s7 =	simm.s32 $0x0;
	s20 =	sshll.u32 s5, $0x1;
	s5 =	sadd.s32 s21, s3  }
0x9d: {  	[timem:s7], [sflag:s22] =	dma.local [hbm:s5], s20  }
0x9e: {  	_ =	swait.ge [sflag:s22], s20  }
0x9f: {  	s4 =	ssub.s32 $0x0, s20;
	[sflag:s22] =	ssyncset.done $0x0  }
0xa0: {  	[sflag:s22] =	ssyncadd.s32 s4;
	_ =	sdelay $0x1  }
0xa1: {  	s23 =	simm.s32 $0x1B8B  }
0xa2: {  	_ =	swait.ge [sflag:s23], $0x1  }
0xa3: {  	[sflag:s23] =	ssyncset.done $0x0  }
0xa4: {  	s25 =	simm.s32 $0x1B8E;
	s24 =	sld [smem:$0x3FFE];
	[sflag:s23] =	ssyncadd.s32 $0xFFFFFFFF  }
0xa5: {  	s26 =	simm.s32 $execute0_lowered;
	[smem:$0x3FD2] =	sst s25  }
0xa6: {  	s5 =	sshll.u32 s26, $0x1;
	_ =	strace $0x80000046;
	[dreg:$0x1] =	wrdreg $0xFFFFFFFF  }
0xa7: {  	s28 =	simm.s32 $_size_execute0_lowered;
	s3 =	sadd.s32 s3, s5;
	[dreg:$0x0] =	wrdreg $0x0  }
0xa8: {  	s5 =	sshll.u32 s28, $0x1;
	[dreg:$0x2] =	wrdreg s3  }
0xa9: {  	[dreg:$0x3] =	wrdreg s5  }
0xaa: {  	[dreg:$0x4] =	wrdreg $0xC0  }
0xab: {  	_ =	task [dreg:s7], $0x5FFFF  }
0xac: {  	[dreg:$0x1] =	wrdreg $0xFFFFFFFF  }
0xad: {  	[dreg:$0x0] =	wrdreg $0x60  }
0xae: {  	[dreg:$0x2] =	wrdreg s24  }
0xaf: {  	[dreg:$0x3] =	wrdreg s2  }
0xb0: {  	[dreg:$0x4] =	wrdreg $0x9  }
0xb1: {  	_ =	task.clear_ibuf [dreg:s7], $0x5FFFF;
	_ =	strace $0x90000046  }
0xb2: {  	s29 =	simm.s32 $0x9;
	_ =	strace $0x80000048  }
0xb3: {  	_ =	swait.ge [sflag:s29], $0x1  }
0xb4: {  	[sflag:s29] =	ssyncadd.s32 $0xFFFFFFFF  }
0xb5: {  	_ =	strace $0x90000048  }
0xb6: {  	_ =	sfence  }
0xb7: {  	s30 =	sld [smem:$0x0];
	_ =	sdelay $0x2  }
0xb8: {  	s31 =	sshll.u32 s1, $0xD;
	s1 =	sshrl.u32 s1, $0x2  }
0xb9: {  	s3 =	sand.u32 $0x4000, s31;
	s1 =	sadd.s32 s1, s30  }
0xba: {  	s0 =	sor.u32 s3, s0;
	s1 =	sshll.u32 s1, $0x11  }
0xbb: {  	s0 =	sor.u32 s1, s0  }
0xbc: {  	s0 =	sadd.s32 $0x8F2B, s0  }
0xbd: {  	[sflag:s0] =	ssyncadd.remote.s32 $0x1  }
0xbe: {  	_ =	sfence.sel $0xFFFF  }
0xbf: {  	[dreg:$0x0] =	wrdreg $0xFFFFFFFF;
	(pc) =	sbr.abs _section_cstart, $3  }
0xc0: {  	[dreg:$0x1] =	wrdreg $0xFFFFFFFF  }
0xc1: {  	_ =	task.clear_ibuf [dreg:s7], $0x2FFFF;
	_ =	strace $0x9FFFFFFF  }
0xc2: {  	(tm) =	ssettm $0x7FFFFFFF  }
0xc3: {  	_ =	shalt  }
tec
execute0_lowered:
.L_overlay_start_1:
0x0: {  	(tag) =	ssettag $0x1  }
0x1: {  	s1 =	srdreg.scid  }
0x2: {  	s5 =	rddreg [dreg:$0x0];
	s0 =	stileid.u32  }
0x3: {  	s3 =	rddreg [dreg:$0x1];
	s2 =	simm.s32 $0x0;
	s8 =	simm.s32 $0x80  }
0x4: {  	s26 =	simm.s32 $0x880;
	s9 =	simm.s32 $0x1080;
	s10 =	simm.s32 $0x1880  }
0x5: {  	s11 =	simm.s32 $0x2080;
	s12 =	simm.s32 $0x2880;
	s13 =	simm.s32 $0x3080  }
0x6: {  	s14 =	simm.s32 $0x3880;
	s15 =	simm.s32 $0x4080;
	s16 =	simm.s32 $0x4880  }
0x7: {  	s17 =	simm.s32 $0x5080;
	s18 =	simm.s32 $0x5880;
	s19 =	simm.s32 $0x6080  }
0x8: {  	s20 =	simm.s32 $0x6880;
	s21 =	simm.s32 $0x7080;
	s22 =	simm.s32 $0x7880  }
0x9: {  	s23 =	simm.s32 $0x8080;
	s24 =	simm.s32 $0x8880;
	s25 =	simm.s32 $0x9080  }
0xa: {  	s28 =	simm.s32 $0xA080;
	s29 =	simm.s32 $0xA880;
	s30 =	simm.s32 $0xB080  }
0xb: {  	s31 =	simm.s32 $0xB880;
	s1 =	sand.u32 $0x1, s1;
	[smem:$0x7FF] =	sst s2  }
0xc: {  	s4 =	sshll.u32 s0, $0x4;
	s6 =	sshll.u32 s1, $0x3;
	_ =	strace $0x80000047  }
0xd: {  	s1 =	ssub.s32 $0x2, s1;
	[dreg:$0x5] =	wrdreg s26;
	s4 =	sor.u32 s6, s4  }
0xe: {  	s7 =	sshrl.u32 s1, $0x1;
	s6 =	sadd.s32 s4, s5;
	s4 =	smul.u32 $0x300, s4  }
0xf: {  	s26 =	simm.s32 $0x9880;
	s1 =	ssub.s32 s1, s7;
	s6 =	sadd.s32 $0x1600, s6  }
0x10: {  	v2 =	vlaneseq.u32;
	s7 =	simm.s32 $0x2;
	[dreg:$0x3] =	wrdreg s6;
	s4 =	sadd.s32 s3, s4  }
0x11: {  	vm0 =	vmmov $0xffff;
	v1 =	vshrl.u32 v2, $0x3;
	s3 =	sadd.s32 $0x1800, s5;
	s6 =	smax.u32 s1, $0x1;
	s1 =	simm.s32 $0x1  }
0x12: {  	v0 =	vand.u32 $0x7, v2;
	v2 =	vor.u32 $0x8, v2;
	v1 =	vmul.u32 $0x8, v1;
	[dreg:$0x4] =	wrdreg s4;
	s4 =	sadd.s32 $0x1900, s5;
	s5 =	sadd.s32 $0x1A00, s5  }
.LBB2_1:
0x13: {  	s0 =	rddreg [dreg:$0x3]  }
0x14: {  	[tilespmem:s2], [sflag:$0x2] =	stream.linear.gather [hbm4b:s0+s2], $0x40, $0x38;
	[tilespmem:$0xC080] =	vst v63  }
0x15: {  	_ =	swait.ge [sflag:s7], $0x40  }
0x16: {  	[sflag:s7] =	ssyncset.done $0x0  }
0x17: {  	s0 =	rddreg [dreg:$0x4];
	[sflag:s7] =	ssyncadd.s32 $0xFFFFFFC0  }
0x18: {  	[tilespmem:s8], [sflag:$0x2] =	stream.linear.gather [hbm4b:s0+s2], $0xC000, $0x38;
	[tilespmem:$0xC080] =	vst v63  }
0x19: {  	_ =	swait.ge [sflag:s7], $0xC000  }
0x1a: {  	[sflag:s7] =	ssyncset.done $0x0  }
0x1b: {  	[sflag:s7] =	ssyncadd.s32 $0xFFFF4000  }
0x1c: {  	v3 =	vld [tilespmem:$0x0];
	_ =	sdelay $0x4  }
0x1d: {  	v4 =	vshrl.u32 v3, $0x3  }
0x1e: {  	v4 =	vmul.u32 $0x30, v4  }
0x1f: {  	v3 =	vand.u32 $0x7, v3  }
0x20: {  	v3 =	vor.u32 v3, v4  }
0x21: {  	v4 =	vperm.xlane v3, v0;
	_ =	sdelay $0x1  }
0x22: {  	v4 =	vadd.s32 v1, v4;
	_ =	sdelay $0x3  }
0x23: {  	v3 =	vperm.xlane v3, v2  }
0x24: {  	[hbm4b:s3+s2] =	stream.indirect_vreg.scatter [tilespmem:s8], [sflag:$0x1], $0x80, v4, vm0, $0xb8;
	[tilespmem:$0xC080] =	vst v63  }
0x25: {  	s0 =	rddreg [dreg:$0x5];
	v3 =	vadd.s32 v1, v3  }
0x26: {  	[hbm4b:s4+s2] =	stream.indirect_vreg.scatter [tilespmem:s0], [sflag:$0x1], $0x80, v4, vm0, $0xb8;
	[tilespmem:$0xC080] =	vst v63  }
0x27: {  	_ = 	snop  }
0x28: {  	[hbm4b:s5+s2] =	stream.indirect_vreg.scatter [tilespmem:s9], [sflag:$0x1], $0x80, v4, vm0, $0xb8;
	[tilespmem:$0xC080] =	vst v63  }
0x29: {  	_ = 	snop  }
0x2a: {  	[hbm4b:s3+s2] =	stream.indirect_vreg.scatter [tilespmem:s10], [sflag:$0x1], $0x80, v3, vm0, $0xb8;
	[tilespmem:$0xC080] =	vst v63  }
0x2b: {  	_ = 	snop  }
0x2c: {  	[hbm4b:s4+s2] =	stream.indirect_vreg.scatter [tilespmem:s11], [sflag:$0x1], $0x80, v3, vm0, $0xb8;
	[tilespmem:$0xC080] =	vst v63  }
0x2d: {  	_ = 	snop  }
0x2e: {  	[hbm4b:s5+s2] =	stream.indirect_vreg.scatter [tilespmem:s12], [sflag:$0x1], $0x80, v3, vm0, $0xb8;
	[tilespmem:$0xC080] =	vst v63  }
0x2f: {  	v3 =	vld [tilespmem:$0x10];
	_ =	sdelay $0x4  }
0x30: {  	v61 =	vshrl.u32 v3, $0x3  }
0x31: {  	v4 =	vmul.u32 $0x30, v61  }
0x32: {  	v3 =	vand.u32 $0x7, v3  }
0x33: {  	v3 =	vor.u32 v3, v4  }
0x34: {  	v4 =	vperm.xlane v3, v0;
	_ =	sdelay $0x1  }
0x35: {  	v4 =	vadd.s32 v1, v4;
	_ =	sdelay $0x3  }
0x36: {  	v3 =	vperm.xlane v3, v2  }
0x37: {  	[hbm4b:s3+s2] =	stream.indirect_vreg.scatter [tilespmem:s13], [sflag:$0x1], $0x80, v4, vm0, $0xb8;
	[tilespmem:$0xC080] =	vst v63  }
0x38: {  	v3 =	vadd.s32 v1, v3  }
0x39: {  	[hbm4b:s4+s2] =	stream.indirect_vreg.scatter [tilespmem:s14], [sflag:$0x1], $0x80, v4, vm0, $0xb8;
	[tilespmem:$0xC080] =	vst v63  }
0x3a: {  	_ = 	snop  }
0x3b: {  	[hbm4b:s5+s2] =	stream.indirect_vreg.scatter [tilespmem:s15], [sflag:$0x1], $0x80, v4, vm0, $0xb8;
	[tilespmem:$0xC080] =	vst v63  }
0x3c: {  	_ = 	snop  }
0x3d: {  	[hbm4b:s3+s2] =	stream.indirect_vreg.scatter [tilespmem:s16], [sflag:$0x1], $0x80, v3, vm0, $0xb8;
	[tilespmem:$0xC080] =	vst v63  }
0x3e: {  	_ = 	snop  }
0x3f: {  	[hbm4b:s4+s2] =	stream.indirect_vreg.scatter [tilespmem:s17], [sflag:$0x1], $0x80, v3, vm0, $0xb8;
	[tilespmem:$0xC080] =	vst v63  }
0x40: {  	_ = 	snop  }
0x41: {  	[hbm4b:s5+s2] =	stream.indirect_vreg.scatter [tilespmem:s18], [sflag:$0x1], $0x80, v3, vm0, $0xb8;
	[tilespmem:$0xC080] =	vst v63  }
0x42: {  	v3 =	vld [tilespmem:$0x20];
	_ =	sdelay $0x4  }
0x43: {  	v62 =	vshrl.u32 v3, $0x3  }
0x44: {  	v4 =	vmul.u32 $0x30, v62  }
0x45: {  	v3 =	vand.u32 $0x7, v3  }
0x46: {  	v3 =	vor.u32 v3, v4  }
0x47: {  	v4 =	vperm.xlane v3, v0;
	_ =	sdelay $0x1  }
0x48: {  	v4 =	vadd.s32 v1, v4;
	_ =	sdelay $0x3  }
0x49: {  	v3 =	vperm.xlane v3, v2  }
0x4a: {  	[hbm4b:s3+s2] =	stream.indirect_vreg.scatter [tilespmem:s19], [sflag:$0x1], $0x80, v4, vm0, $0xb8;
	[tilespmem:$0xC080] =	vst v63  }
0x4b: {  	v3 =	vadd.s32 v1, v3  }
0x4c: {  	[hbm4b:s4+s2] =	stream.indirect_vreg.scatter [tilespmem:s20], [sflag:$0x1], $0x80, v4, vm0, $0xb8;
	[tilespmem:$0xC080] =	vst v63  }
0x4d: {  	_ = 	snop  }
0x4e: {  	[hbm4b:s5+s2] =	stream.indirect_vreg.scatter [tilespmem:s21], [sflag:$0x1], $0x80, v4, vm0, $0xb8;
	[tilespmem:$0xC080] =	vst v63  }
0x4f: {  	_ = 	snop  }
0x50: {  	[hbm4b:s3+s2] =	stream.indirect_vreg.scatter [tilespmem:s22], [sflag:$0x1], $0x80, v3, vm0, $0xb8;
	[tilespmem:$0xC080] =	vst v63  }
0x51: {  	_ = 	snop  }
0x52: {  	[hbm4b:s4+s2] =	stream.indirect_vreg.scatter [tilespmem:s23], [sflag:$0x1], $0x80, v3, vm0, $0xb8;
	[tilespmem:$0xC080] =	vst v63  }
0x53: {  	_ = 	snop  }
0x54: {  	[hbm4b:s5+s2] =	stream.indirect_vreg.scatter [tilespmem:s24], [sflag:$0x1], $0x80, v3, vm0, $0xb8;
	[tilespmem:$0xC080] =	vst v63  }
0x55: {  	v3 =	vld [tilespmem:$0x30];
	_ =	sdelay $0x4  }
0x56: {  	v63 =	vshrl.u32 v3, $0x3  }
0x57: {  	v4 =	vmul.u32 $0x30, v63  }
0x58: {  	v3 =	vand.u32 $0x7, v3  }
0x59: {  	v3 =	vor.u32 v3, v4  }
0x5a: {  	v4 =	vperm.xlane v3, v0;
	_ =	sdelay $0x1  }
0x5b: {  	v4 =	vadd.s32 v1, v4;
	_ =	sdelay $0x3  }
0x5c: {  	v3 =	vperm.xlane v3, v2  }
0x5d: {  	[hbm4b:s3+s2] =	stream.indirect_vreg.scatter [tilespmem:s25], [sflag:$0x1], $0x80, v4, vm0, $0xb8;
	[tilespmem:$0xC080] =	vst v63  }
0x5e: {  	v3 =	vadd.s32 v1, v3  }
0x5f: {  	[hbm4b:s4+s2] =	stream.indirect_vreg.scatter [tilespmem:s26], [sflag:$0x1], $0x80, v4, vm0, $0xb8;
	[tilespmem:$0xC080] =	vst v63  }
0x60: {  	_ = 	snop  }
0x61: {  	[hbm4b:s5+s2] =	stream.indirect_vreg.scatter [tilespmem:s28], [sflag:$0x1], $0x80, v4, vm0, $0xb8;
	[tilespmem:$0xC080] =	vst v63  }
0x62: {  	_ = 	snop  }
0x63: {  	[hbm4b:s3+s2] =	stream.indirect_vreg.scatter [tilespmem:s29], [sflag:$0x1], $0x80, v3, vm0, $0xb8;
	[tilespmem:$0xC080] =	vst v63  }
0x64: {  	p0 =	sne.s32 s6, $0x1  }
0x65: {  	[hbm4b:s4+s2] =	stream.indirect_vreg.scatter [tilespmem:s30], [sflag:$0x1], $0x80, v3, vm0, $0xb8;
	[tilespmem:$0xC080] =	vst v63  }
.Ltmp0:
0x66: {  	_ = 	snop;
	(pc) =	sbr.rel @p0 .LBB2_1-.Ltmp0, $4  }
0x67: {  	[hbm4b:s5+s2] =	stream.indirect_vreg.scatter [tilespmem:s31], [sflag:$0x1], $0x80, v3, vm0, $0xb8;
	[tilespmem:$0xC080] =	vst v63  }
0x68: {  	_ =	swait.ge [sflag:s1], $0xC000  }
0x69: {  	[sflag:s1] =	ssyncset.done $0x0  }
0x6a: {  	s6 =	sadd.s32 $0xFFFFFFFF, s6;
	[sflag:s1] =	ssyncadd.s32 $0xFFFF4000  }
0x6b: {  	_ =	sfence.sel $0x180000  }
0x6c: {  	[bflag:$0x0] =	sbarrier.arrive $0xFFFF  }
0x6d: {  	_ =	strace $0x90000047  }
0x6e: {  	s0 =	stileid.u32;
	[bflag:$0x2] =	sbarrier.arrive $0xFFFF  }
0x6f: {  	p0 =	sne.s32 s0, $0x0;
	s0 =	rddreg [dreg:$0x2]  }
0x70: {  	s0 =	sadd.s32 @!p0 $0x100000, s0  }
0x71: {  	[sflag:s0] =	ssyncadd.tile.s32 @!p0 $0x1;
	_ =	shalt  }
.Lfunc_end2:
_tile_overlayer_lowered:
.L_overlay_start_2:
0x72: {  	(tag) =	ssettag $0x2  }
0x73: {  	s0 =	rddreg [dreg:$0x0];
	s2 =	stileid.u32  }
0x74: {  	s1 =	rddreg [dreg:$0x1];
	p0 =	sne.s32 s2, $0x0  }
0x75: {  	s3 =	rddreg [dreg:$0x2];
	[bflag:$0x3] =	sbarrier.arrive $0xFFFF;
	s2 =	simm.s32 @!p0 $0x1C02  }
0x76: {  	[timem:s3], [sflag:s2] =	dma.local @!p0 [hbm:s0], s1  }
0x77: {  	s0 =	simm.s32 @!p0 $0x2  }
0x78: {  	_ =	swait.ge @!p0 [sflag:s0], s1  }
0x79: {  	s1 =	ssub.s32 @!p0 $0x0, s1;
	[sflag:s0] =	ssyncset.done @!p0 $0x0  }
0x7a: {  	[sflag:s0] =	ssyncadd.s32 @!p0 s1  }
0x7b: {  	[bflag:$0x3] =	sbarrier.arrive $0xFFFF  }
0x7c: {  	_ =	shalt  }

// kernel: kernel.9.cloned.1.call-start
scs
__scs_entry_jumppad:
0x0: {  	(pc) =	sbr.rel $0x88, $3  }
0x1: {  	(tag) =	ssettag $0x0;
	lr =	simm.s32 $0x1  }
0x2: {  	[smem:$0x3F9B] =	sst lr;
	_ =	strace $0xD0000000  }
0x3: {  	_ = 	snop  }
0x4: {  	_ = 	snop  }
0x5: {  	_ = 	snop  }
0x6: {  	_ = 	snop  }
0x7: {  	_ = 	snop  }
__scs_overlays_trampoline_lowered:
0x8: {  	[smem:$0x3FAA] =	sst s0  }
0x9: {  	[smem:$0x3FAB] =	sst s1  }
0xa: {  	[smem:$0x3FAC] =	sst s2  }
0xb: {  	[smem:$0x3FAD] =	sst s3  }
0xc: {  	[smem:$0x3FAE] =	sst s4  }
0xd: {  	[smem:$0x3FAF] =	sst s5  }
0xe: {  	[smem:$0x3FB0] =	sst s6  }
0xf: {  	[smem:$0x3FB1] =	sst s7  }
0x10: {  	[smem:$0x3FB2] =	sst s8  }
0x11: {  	[smem:$0x3FB3] =	sst s9;
	s0 =	simm.s32 @!p0 $0x0  }
0x12: {  	s1 =	sld [smem:$0x3F99];
	s0 =	simm.s32 @p0 $0x1  }
0x13: {  	[smem:$0x3FB4] =	sst s0;
	s0 =	simm.s32 @!p1 $0x0  }
0x14: {  	s2 =	sld [smem:$0x3F98];
	s0 =	simm.s32 @p1 $0x1  }
0x15: {  	[smem:$0x3FB5] =	sst s0;
	s0 =	simm.s32 @!p2 $0x0  }
0x16: {  	s3 =	sld [smem:$0x3FDB];
	s0 =	simm.s32 @p2 $0x1  }
0x17: {  	s4 =	simm.s32 $0x1BF5;
	[smem:$0x3FB7] =	sst s0  }
0x18: {  	s0 =	sld [smem:$0x3F9A];
	_ =	swait.ge [sflag:s4], $0x0  }
0x19: {  	s7 =	sld [smem:$0x3F9B]  }
0x1a: {  	s8 =	sadd.s32 $0xFFFFE003, lr  }
0x1b: {  	s9 =	sadd.s32 $0xFFFFFEF7, lr;
	s5 =	simm.s32 $0xFFFFFFFF;
	p2 =	slt.u32 s8, $0xFFFFF086  }
0x1c: {  	p1 =	slt.u32 s9, $0xF7A;
	s5 =	simm.s32 @!p2 $0x0  }
0x1d: {  	s5 =	simm.s32 @p1 $0x1;
	p0 =	seq.s32 s7, s2  }
0x1e: {  	s7 =	smul.u32 @!p0 $0xF7A, s2;
	p2 =	seq.s32 @!p0 s5, $0x0  }
0x1f: {  	s9 =	smul.u32 $0xF7A, s1;
	s8 =	simm.s32 @!p0 $0x1BF5;
	p2 =	por !p2, p0  }
0x20: {  	[sflag:s8] =	ssyncset.s32 @!p0 $0xFFFFF086;
	s6 =	sadd.s32 @!p0 s3, s7;
	s7 =	simm.s32 @!p0 $0x108  }
0x21: {  	s3 =	sadd.s32 s3, s9;
	s6 =	sadd.s32 @!p0 $0x88, s6;
	s7 =	simm.s32 @p2 $0x1082  }
0x22: {  	[simem:s7], [sflag:s8] =	dma.local @!p0 [hbm:s6], $0xF7A  }
0x23: {  	s9 =	sor.u32 $0xD0000000, s2;
	s6 =	simm.s32 $0x108;
	_ =	swait.ge @!p0 [sflag:s8], $0x0  }
0x24: {  	s3 =	sadd.s32 $0x88, s3;
	s6 =	simm.s32 @!p1 $0x1082;
	[sflag:s4] =	ssyncset.s32 $0xFFFFF086  }
0x25: {  	[simem:s6], [sflag:s4] =	dma.local [hbm:s3], $0xF7A  }
0x26: {  	[smem:$0x3F9B] =	sst s1;
	(tag) =	ssettag s2;
	_ =	strace s9  }
0x27: {  	s1 =	sld [smem:$0x3FAB]  }
0x28: {  	s2 =	sld [smem:$0x3FAC]  }
0x29: {  	s4 =	sld [smem:$0x3FAE]  }
0x2a: {  	p0 =	seq.s32 s5, $0x0;
	s5 =	sld [smem:$0x3FAF]  }
0x2b: {  	s6 =	sld [smem:$0x3FB0]  }
0x2c: {  	s7 =	sld [smem:$0x3FB1]  }
0x2d: {  	s3 =	simm.s32 $0x108;
	s8 =	sld [smem:$0x3FB2]  }
0x2e: {  	s3 =	simm.s32 @!p0 $0x1082;
	s9 =	sld [smem:$0x3FB3]  }
0x2f: {  	lr =	sadd.s32 s0, s3;
	s0 =	sld [smem:$0x3FAA]  }
0x30: {  	s3 =	sld [smem:$0x3FAD]  }
0x31: {  	[smem:$0x3FB6] =	sst s10  }
0x32: {  	s10 =	sld [smem:$0x3FB4];
	_ =	sdelay $0x3  }
0x33: {  	p0 =	seq.s32 s10, $0x1;
	s10 =	sld [smem:$0x3FB6];
	_ =	sdelay $0x3  }
0x34: {  	[smem:$0x3FB6] =	sst s10  }
0x35: {  	s10 =	sld [smem:$0x3FB5];
	_ =	sdelay $0x3  }
0x36: {  	p1 =	seq.s32 s10, $0x1;
	s10 =	sld [smem:$0x3FB6];
	_ =	sdelay $0x3  }
0x37: {  	[smem:$0x3FB6] =	sst s10  }
0x38: {  	s10 =	sld [smem:$0x3FB7]  }
0x39: {  	_ = 	snop;
	(pc) =	sbr.ind lr, $3  }
0x3a: {  	_ = 	snop  }
0x3b: {  	_ = 	snop  }
0x3c: {  	p2 =	seq.s32 s10, $0x1;
	s10 =	sld [smem:$0x3FB6]  }
0x3d: {  	_ =	shalt  }
0x3e: {  	_ =	shalt  }
0x3f: {  	_ =	shalt  }
0x40: {  	_ =	shalt  }
0x41: {  	_ =	shalt  }
0x42: {  	_ =	shalt  }
0x43: {  	_ =	shalt  }
0x44: {  	_ =	shalt  }
0x45: {  	_ =	shalt  }
0x46: {  	_ =	shalt  }
0x47: {  	_ =	shalt  }
0x48: {  	_ =	shalt  }
0x49: {  	_ =	shalt  }
0x4a: {  	_ =	shalt  }
0x4b: {  	_ =	shalt  }
0x4c: {  	_ =	shalt  }
0x4d: {  	_ =	shalt  }
0x4e: {  	_ =	shalt  }
0x4f: {  	_ =	shalt  }
0x50: {  	_ =	shalt  }
0x51: {  	_ =	shalt  }
0x52: {  	_ =	shalt  }
0x53: {  	_ =	shalt  }
0x54: {  	_ =	shalt  }
0x55: {  	_ =	shalt  }
0x56: {  	_ =	shalt  }
0x57: {  	_ =	shalt  }
0x58: {  	_ =	shalt  }
0x59: {  	_ =	shalt  }
0x5a: {  	_ =	shalt  }
0x5b: {  	_ =	shalt  }
0x5c: {  	_ =	shalt  }
0x5d: {  	_ =	shalt  }
0x5e: {  	_ =	shalt  }
0x5f: {  	_ =	shalt  }
0x60: {  	_ =	shalt  }
0x61: {  	_ =	shalt  }
0x62: {  	_ =	shalt  }
0x63: {  	_ =	shalt  }
0x64: {  	_ =	shalt  }
0x65: {  	_ =	shalt  }
0x66: {  	_ =	shalt  }
0x67: {  	_ =	shalt  }
0x68: {  	_ =	shalt  }
0x69: {  	_ =	shalt  }
0x6a: {  	_ =	shalt  }
0x6b: {  	_ =	shalt  }
0x6c: {  	_ =	shalt  }
0x6d: {  	_ =	shalt  }
0x6e: {  	_ =	shalt  }
0x6f: {  	_ =	shalt  }
0x70: {  	_ =	shalt  }
0x71: {  	_ =	shalt  }
0x72: {  	_ =	shalt  }
0x73: {  	_ =	shalt  }
0x74: {  	_ =	shalt  }
0x75: {  	_ =	shalt  }
0x76: {  	_ =	shalt  }
0x77: {  	_ =	shalt  }
0x78: {  	_ =	shalt  }
0x79: {  	_ =	shalt  }
0x7a: {  	_ =	shalt  }
0x7b: {  	_ =	shalt  }
0x7c: {  	_ =	shalt  }
0x7d: {  	_ =	shalt  }
0x7e: {  	_ =	shalt  }
0x7f: {  	_ =	shalt  }
0x80: {  	_ =	shalt  }
0x81: {  	_ =	shalt  }
0x82: {  	_ =	shalt  }
0x83: {  	_ =	shalt  }
0x84: {  	_ =	shalt  }
0x85: {  	_ =	shalt  }
0x86: {  	_ =	shalt  }
0x87: {  	_ =	shalt  }
.Lfunc_end0:
.L_simem_size_0:
called_computation.1_lowered:
.L_overlay_start_0:
0x88: {  	s2 =	sld [smem:$0x3FD9]  }
0x89: {  	s3 =	sld [smem:$0x3FFE];
	_ =	sdelay $0x1  }
0x8a: {  	s1 =	srdreg.scid  }
0x8b: {  	s0 =	sand.u32 $0x1, s1  }
0x8c: {  	s14 =	sshll.u32 s0, $0xA;
	s2 =	sadd.s32 s3, s2  }
0x8d: {  	s2 =	sadd.s32 s2, s14  }
0x8e: {  	[smem:$0x3FC2] =	sst s2  }
0x8f: {  	_ = 	snop  }
0x90: {  	s2 =	sld [smem:$0x3FD0];
	_ =	sdelay $0x2  }
0x91: {  	s15 =	simm.s32 $0xA;
	s4 =	simm.s32 $0x10  }
0x92: {  	[smem:s4], [sflag:s15] =	dma.local [hbm:s2], $0x1  }
0x93: {  	_ =	swait.eq [sflag:s15], $0x1  }
0x94: {  	[sflag:s15] =	ssyncset.done $0x0  }
0x95: {  	[sflag:s15] =	ssyncadd.s32 $0xFFFFFFFF  }
0x96: {  	s16 =	sld [smem:$0x10];
	(tm) =	ssettm $0x1  }
0x97: {  	s17 =	sld [smem:$0x3FFB];
	_ =	sdelay $0x3  }
0x98: {  	_ =	strace s17  }
0x99: {  	s3 =	sld [smem:$0x3FFC];
	_ =	sdelay $0x3  }
0x9a: {  	_ =	strace s3  }
0x9b: {  	s3 =	sld [smem:$0x3FFD];
	_ =	sdelay $0x3  }
0x9c: {  	_ =	strace s3  }
0x9d: {  	_ =	strace $0x8FFFFFFF  }
0x9e: {  	s18 =	sld [smem:$0x3FDB];
	_ =	sdelay $0x1  }
0x9f: {  	s19 =	simm.s32 $_scs_section_size  }
0xa0: {  	s5 =	simm.s32 $_size__tile_overlayer_lowered;
	s6 =	simm.s32 $_tile_overlayer_lowered  }
0xa1: {  	s22 =	simm.s32 $0x1BFF;
	s21 =	sshll.u32 s6, $0x1;
	s3 =	sadd.s32 s19, s18  }
0xa2: {  	s7 =	simm.s32 $0x0;
	s20 =	sshll.u32 s5, $0x1;
	s5 =	sadd.s32 s21, s3  }
0xa3: {  	[timem:s7], [sflag:s22] =	dma.local [hbm:s5], s20  }
0xa4: {  	_ =	swait.ge [sflag:s22], s20  }
0xa5: {  	s4 =	ssub.s32 $0x0, s20;
	[sflag:s22] =	ssyncset.done $0x0  }
0xa6: {  	[sflag:s22] =	ssyncadd.s32 s4;
	_ =	sdelay $0x1  }
0xa7: {  	s23 =	simm.s32 $0x1B8B  }
0xa8: {  	_ =	swait.ge [sflag:s23], $0x1  }
0xa9: {  	[sflag:s23] =	ssyncset.done $0x0  }
0xaa: {  	s25 =	simm.s32 $0x1B8E;
	s24 =	sld [smem:$0x3FFE];
	[sflag:s23] =	ssyncadd.s32 $0xFFFFFFFF  }
0xab: {  	s26 =	simm.s32 $execute0_lowered;
	[smem:$0x3FD2] =	sst s25  }
0xac: {  	s5 =	sshll.u32 s26, $0x1;
	_ =	strace $0x80000049;
	[dreg:$0x1] =	wrdreg $0xFFFFFFFF  }
0xad: {  	s28 =	simm.s32 $_size_execute0_lowered;
	s3 =	sadd.s32 s3, s5;
	[dreg:$0x0] =	wrdreg $0x0  }
0xae: {  	s5 =	sshll.u32 s28, $0x1;
	[dreg:$0x2] =	wrdreg s3  }
0xaf: {  	[dreg:$0x3] =	wrdreg s5  }
0xb0: {  	[dreg:$0x4] =	wrdreg $0xC0  }
0xb1: {  	_ =	task [dreg:s7], $0x5FFFF  }
0xb2: {  	[dreg:$0x1] =	wrdreg $0xFFFFFFFF  }
0xb3: {  	[dreg:$0x0] =	wrdreg $0x60  }
0xb4: {  	[dreg:$0x2] =	wrdreg s24  }
0xb5: {  	[dreg:$0x3] =	wrdreg s16  }
0xb6: {  	[dreg:$0x4] =	wrdreg $0x9  }
0xb7: {  	_ =	task.clear_ibuf [dreg:s7], $0x5FFFF;
	_ =	strace $0x90000049  }
0xb8: {  	s29 =	simm.s32 $0x9;
	_ =	strace $0x8000004B  }
0xb9: {  	_ =	swait.ge [sflag:s29], $0x1  }
0xba: {  	[sflag:s29] =	ssyncadd.s32 $0xFFFFFFFF  }
0xbb: {  	_ =	strace $0x9000004B  }
0xbc: {  	_ =	sfence  }
0xbd: {  	s30 =	sld [smem:$0x0];
	_ =	sdelay $0x2  }
0xbe: {  	s31 =	sshll.u32 s1, $0xD;
	s1 =	sshrl.u32 s1, $0x2  }
0xbf: {  	s3 =	sand.u32 $0x4000, s31;
	s1 =	sadd.s32 s1, s30  }
0xc0: {  	s0 =	sor.u32 s3, s0;
	s1 =	sshll.u32 s1, $0x11  }
0xc1: {  	s0 =	sor.u32 s1, s0  }
0xc2: {  	s0 =	sadd.s32 $0x8F2B, s0  }
0xc3: {  	[sflag:s0] =	ssyncadd.remote.s32 $0x1  }
0xc4: {  	_ =	sfence.sel $0xFFFF  }
0xc5: {  	[dreg:$0x0] =	wrdreg $0xFFFFFFFF;
	(pc) =	sbr.abs _section_cstart, $3  }
0xc6: {  	[dreg:$0x1] =	wrdreg $0xFFFFFFFF  }
0xc7: {  	_ =	task.clear_ibuf [dreg:s7], $0x2FFFF;
	_ =	strace $0x9FFFFFFF  }
0xc8: {  	(tm) =	ssettm $0x7FFFFFFF  }
0xc9: {  	_ =	shalt  }
tec
execute0_lowered:
.L_overlay_start_1:
0x0: {  	(tag) =	ssettag $0x1  }
0x1: {  	s0 =	rddreg [dreg:$0x0]  }
0x2: {  	s5 =	rddreg [dreg:$0x1];
	s3 =	srdreg.scid  }
0x3: {  	s2 =	simm.s32 $0x0;
	s1 =	stileid.u32;
	s26 =	simm.s32 $0x880  }
0x4: {  	s10 =	simm.s32 $0x1880;
	s11 =	simm.s32 $0x2080;
	s12 =	simm.s32 $0x2880  }
0x5: {  	s13 =	simm.s32 $0x3080;
	s14 =	simm.s32 $0x3880;
	s15 =	simm.s32 $0x4080  }
0x6: {  	s16 =	simm.s32 $0x4880;
	s17 =	simm.s32 $0x5080;
	s18 =	simm.s32 $0x5880  }
0x7: {  	s19 =	simm.s32 $0x6080;
	s20 =	simm.s32 $0x6880;
	s21 =	simm.s32 $0x7080  }
0x8: {  	s22 =	simm.s32 $0x7880;
	s28 =	simm.s32 $0xA080;
	s29 =	simm.s32 $0xA880  }
0x9: {  	s30 =	simm.s32 $0xB080;
	s31 =	simm.s32 $0xB880;
	s3 =	sand.u32 $0x1, s3  }
0xa: {  	[smem:$0x7FF] =	sst s2;
	s4 =	sshll.u32 s1, $0x4;
	s6 =	sshll.u32 s3, $0x3  }
0xb: {  	_ =	strace $0x8000004A;
	s23 =	ssub.s32 $0x2, s3;
	s3 =	sadd.s32 $0x40000, s0  }
0xc: {  	[dreg:$0x5] =	wrdreg s26;
	s26 =	simm.s32 $0x9880;
	s4 =	sor.u32 s6, s4  }
0xd: {  	s8 =	sshrl.u32 s23, $0x1;
	s7 =	sadd.s32 s4, s0;
	s9 =	smul.u32 $0x300, s4  }
0xe: {  	s6 =	ssub.s32 s23, s8;
	s4 =	sadd.s32 $0x40100, s0;
	s8 =	simm.s32 $0x80  }
0xf: {  	s23 =	simm.s32 $0x8080;
	s24 =	sadd.s32 $0x1600, s7;
	s6 =	smax.u32 s6, $0x1  }
0x10: {  	v2 =	vlaneseq.u32;
	s7 =	simm.s32 $0x2;
	[dreg:$0x3] =	wrdreg s24;
	s25 =	sadd.s32 s5, s9  }
0x11: {  	vm0 =	vmmov $0xffff;
	v1 =	vshrl.u32 v2, $0x3;
	s5 =	sadd.s32 $0x40200, s0;
	s9 =	simm.s32 $0x1080;
	s24 =	simm.s32 $0x8880  }
0x12: {  	v0 =	vand.u32 $0x7, v2;
	v2 =	vor.u32 $0x8, v2;
	v1 =	vmul.u32 $0x8, v1;
	s0 =	simm.s32 $0x1;
	[dreg:$0x4] =	wrdreg s25;
	s25 =	simm.s32 $0x9080  }
.LBB2_1:
0x13: {  	s1 =	rddreg [dreg:$0x3]  }
0x14: {  	[tilespmem:s2], [sflag:$0x2] =	stream.linear.gather [hbm4b:s1+s2], $0x40, $0x38;
	[tilespmem:$0xC080] =	vst v63  }
0x15: {  	_ =	swait.ge [sflag:s7], $0x40  }
0x16: {  	[sflag:s7] =	ssyncset.done $0x0  }
0x17: {  	[sflag:s7] =	ssyncadd.s32 $0xFFFFFFC0  }
0x18: {  	v3 =	vld [tilespmem:$0x0];
	_ =	sdelay $0x4  }
0x19: {  	v4 =	vshrl.u32 v3, $0x3  }
0x1a: {  	v4 =	vmul.u32 $0x30, v4  }
0x1b: {  	v3 =	vand.u32 $0x7, v3  }
0x1c: {  	v3 =	vor.u32 v3, v4  }
0x1d: {  	v4 =	vperm.xlane v3, v0;
	_ =	sdelay $0x1  }
0x1e: {  	v4 =	vadd.s32 v1, v4;
	_ =	sdelay $0x3  }
0x1f: {  	v3 =	vperm.xlane v3, v2  }
0x20: {  	[tilespmem:s8], [sflag:$0x1] =	stream.indirect_vreg.gather [hbm4b:s3+s2], $0x80, v4, vm0, $0xb8;
	[tilespmem:$0xC080] =	vst v63  }
0x21: {  	s1 =	rddreg [dreg:$0x5];
	v3 =	vadd.s32 v1, v3  }
0x22: {  	[tilespmem:s1], [sflag:$0x1] =	stream.indirect_vreg.gather [hbm4b:s4+s2], $0x80, v4, vm0, $0xb8;
	[tilespmem:$0xC080] =	vst v63  }
0x23: {  	_ = 	snop  }
0x24: {  	[tilespmem:s9], [sflag:$0x1] =	stream.indirect_vreg.gather [hbm4b:s5+s2], $0x80, v4, vm0, $0xb8;
	[tilespmem:$0xC080] =	vst v63  }
0x25: {  	_ = 	snop  }
0x26: {  	[tilespmem:s10], [sflag:$0x1] =	stream.indirect_vreg.gather [hbm4b:s3+s2], $0x80, v3, vm0, $0xb8;
	[tilespmem:$0xC080] =	vst v63  }
0x27: {  	_ = 	snop  }
0x28: {  	[tilespmem:s11], [sflag:$0x1] =	stream.indirect_vreg.gather [hbm4b:s4+s2], $0x80, v3, vm0, $0xb8;
	[tilespmem:$0xC080] =	vst v63  }
0x29: {  	_ = 	snop  }
0x2a: {  	[tilespmem:s12], [sflag:$0x1] =	stream.indirect_vreg.gather [hbm4b:s5+s2], $0x80, v3, vm0, $0xb8;
	[tilespmem:$0xC080] =	vst v63  }
0x2b: {  	v3 =	vld [tilespmem:$0x10];
	_ =	sdelay $0x4  }
0x2c: {  	v61 =	vshrl.u32 v3, $0x3  }
0x2d: {  	v4 =	vmul.u32 $0x30, v61  }
0x2e: {  	v3 =	vand.u32 $0x7, v3  }
0x2f: {  	v3 =	vor.u32 v3, v4  }
0x30: {  	v4 =	vperm.xlane v3, v0;
	_ =	sdelay $0x1  }
0x31: {  	v4 =	vadd.s32 v1, v4;
	_ =	sdelay $0x3  }
0x32: {  	v3 =	vperm.xlane v3, v2  }
0x33: {  	[tilespmem:s13], [sflag:$0x1] =	stream.indirect_vreg.gather [hbm4b:s3+s2], $0x80, v4, vm0, $0xb8;
	[tilespmem:$0xC080] =	vst v63  }
0x34: {  	v3 =	vadd.s32 v1, v3  }
0x35: {  	[tilespmem:s14], [sflag:$0x1] =	stream.indirect_vreg.gather [hbm4b:s4+s2], $0x80, v4, vm0, $0xb8;
	[tilespmem:$0xC080] =	vst v63  }
0x36: {  	_ = 	snop  }
0x37: {  	[tilespmem:s15], [sflag:$0x1] =	stream.indirect_vreg.gather [hbm4b:s5+s2], $0x80, v4, vm0, $0xb8;
	[tilespmem:$0xC080] =	vst v63  }
0x38: {  	_ = 	snop  }
0x39: {  	[tilespmem:s16], [sflag:$0x1] =	stream.indirect_vreg.gather [hbm4b:s3+s2], $0x80, v3, vm0, $0xb8;
	[tilespmem:$0xC080] =	vst v63  }
0x3a: {  	_ = 	snop  }
0x3b: {  	[tilespmem:s17], [sflag:$0x1] =	stream.indirect_vreg.gather [hbm4b:s4+s2], $0x80, v3, vm0, $0xb8;
	[tilespmem:$0xC080] =	vst v63  }
0x3c: {  	_ = 	snop  }
0x3d: {  	[tilespmem:s18], [sflag:$0x1] =	stream.indirect_vreg.gather [hbm4b:s5+s2], $0x80, v3, vm0, $0xb8;
	[tilespmem:$0xC080] =	vst v63  }
0x3e: {  	v3 =	vld [tilespmem:$0x20];
	_ =	sdelay $0x4  }
0x3f: {  	v62 =	vshrl.u32 v3, $0x3  }
0x40: {  	v4 =	vmul.u32 $0x30, v62  }
0x41: {  	v3 =	vand.u32 $0x7, v3  }
0x42: {  	v3 =	vor.u32 v3, v4  }
0x43: {  	v4 =	vperm.xlane v3, v0;
	_ =	sdelay $0x1  }
0x44: {  	v4 =	vadd.s32 v1, v4;
	_ =	sdelay $0x3  }
0x45: {  	v3 =	vperm.xlane v3, v2  }
0x46: {  	[tilespmem:s19], [sflag:$0x1] =	stream.indirect_vreg.gather [hbm4b:s3+s2], $0x80, v4, vm0, $0xb8;
	[tilespmem:$0xC080] =	vst v63  }
0x47: {  	v3 =	vadd.s32 v1, v3  }
0x48: {  	[tilespmem:s20], [sflag:$0x1] =	stream.indirect_vreg.gather [hbm4b:s4+s2], $0x80, v4, vm0, $0xb8;
	[tilespmem:$0xC080] =	vst v63  }
0x49: {  	_ = 	snop  }
0x4a: {  	[tilespmem:s21], [sflag:$0x1] =	stream.indirect_vreg.gather [hbm4b:s5+s2], $0x80, v4, vm0, $0xb8;
	[tilespmem:$0xC080] =	vst v63  }
0x4b: {  	_ = 	snop  }
0x4c: {  	[tilespmem:s22], [sflag:$0x1] =	stream.indirect_vreg.gather [hbm4b:s3+s2], $0x80, v3, vm0, $0xb8;
	[tilespmem:$0xC080] =	vst v63  }
0x4d: {  	_ = 	snop  }
0x4e: {  	[tilespmem:s23], [sflag:$0x1] =	stream.indirect_vreg.gather [hbm4b:s4+s2], $0x80, v3, vm0, $0xb8;
	[tilespmem:$0xC080] =	vst v63  }
0x4f: {  	_ = 	snop  }
0x50: {  	[tilespmem:s24], [sflag:$0x1] =	stream.indirect_vreg.gather [hbm4b:s5+s2], $0x80, v3, vm0, $0xb8;
	[tilespmem:$0xC080] =	vst v63  }
0x51: {  	v3 =	vld [tilespmem:$0x30];
	_ =	sdelay $0x4  }
0x52: {  	v63 =	vshrl.u32 v3, $0x3  }
0x53: {  	v4 =	vmul.u32 $0x30, v63  }
0x54: {  	v3 =	vand.u32 $0x7, v3  }
0x55: {  	v3 =	vor.u32 v3, v4  }
0x56: {  	v4 =	vperm.xlane v3, v0;
	_ =	sdelay $0x1  }
0x57: {  	v4 =	vadd.s32 v1, v4;
	_ =	sdelay $0x3  }
0x58: {  	v3 =	vperm.xlane v3, v2  }
0x59: {  	[tilespmem:s25], [sflag:$0x1] =	stream.indirect_vreg.gather [hbm4b:s3+s2], $0x80, v4, vm0, $0xb8;
	[tilespmem:$0xC080] =	vst v63  }
0x5a: {  	v3 =	vadd.s32 v1, v3  }
0x5b: {  	[tilespmem:s26], [sflag:$0x1] =	stream.indirect_vreg.gather [hbm4b:s4+s2], $0x80, v4, vm0, $0xb8;
	[tilespmem:$0xC080] =	vst v63  }
0x5c: {  	_ = 	snop  }
0x5d: {  	[tilespmem:s28], [sflag:$0x1] =	stream.indirect_vreg.gather [hbm4b:s5+s2], $0x80, v4, vm0, $0xb8;
	[tilespmem:$0xC080] =	vst v63  }
0x5e: {  	_ = 	snop  }
0x5f: {  	[tilespmem:s29], [sflag:$0x1] =	stream.indirect_vreg.gather [hbm4b:s3+s2], $0x80, v3, vm0, $0xb8;
	[tilespmem:$0xC080] =	vst v63  }
0x60: {  	_ = 	snop  }
0x61: {  	[tilespmem:s30], [sflag:$0x1] =	stream.indirect_vreg.gather [hbm4b:s4+s2], $0x80, v3, vm0, $0xb8;
	[tilespmem:$0xC080] =	vst v63  }
0x62: {  	_ = 	snop  }
0x63: {  	[tilespmem:s31], [sflag:$0x1] =	stream.indirect_vreg.gather [hbm4b:s5+s2], $0x80, v3, vm0, $0xb8;
	[tilespmem:$0xC080] =	vst v63  }
0x64: {  	_ =	swait.ge [sflag:s0], $0xC000  }
0x65: {  	p0 =	sne.s32 s6, $0x1;
	[sflag:s0] =	ssyncset.done $0x0  }
.Ltmp0:
0x66: {  	s1 =	rddreg [dreg:$0x4];
	[sflag:s0] =	ssyncadd.s32 $0xFFFF4000;
	(pc) =	sbr.rel @p0 .LBB2_1-.Ltmp0, $4  }
0x67: {  	[hbm4b:s1+s2] =	stream.linear.scatter [tilespmem:s8], [sflag:$0x2], $0xC000, $0x38;
	[tilespmem:$0xC080] =	vst v63  }
0x68: {  	_ =	swait.ge [sflag:s7], $0xC000  }
0x69: {  	[sflag:s7] =	ssyncset.done $0x0  }
0x6a: {  	s6 =	sadd.s32 $0xFFFFFFFF, s6;
	[sflag:s7] =	ssyncadd.s32 $0xFFFF4000  }
0x6b: {  	_ =	sfence.sel $0x180000  }
0x6c: {  	[bflag:$0x0] =	sbarrier.arrive $0xFFFF  }
0x6d: {  	_ =	strace $0x9000004A  }
0x6e: {  	s0 =	stileid.u32;
	[bflag:$0x2] =	sbarrier.arrive $0xFFFF  }
0x6f: {  	p0 =	sne.s32 s0, $0x0;
	s0 =	rddreg [dreg:$0x2]  }
0x70: {  	s0 =	sadd.s32 @!p0 $0x100000, s0  }
0x71: {  	[sflag:s0] =	ssyncadd.tile.s32 @!p0 $0x1;
	_ =	shalt  }
.Lfunc_end2:
_tile_overlayer_lowered:
.L_overlay_start_2:
0x72: {  	(tag) =	ssettag $0x2  }
0x73: {  	s0 =	rddreg [dreg:$0x0];
	s2 =	stileid.u32  }
0x74: {  	s1 =	rddreg [dreg:$0x1];
	p0 =	sne.s32 s2, $0x0  }
0x75: {  	s3 =	rddreg [dreg:$0x2];
	[bflag:$0x3] =	sbarrier.arrive $0xFFFF;
	s2 =	simm.s32 @!p0 $0x1C02  }
0x76: {  	[timem:s3], [sflag:s2] =	dma.local @!p0 [hbm:s0], s1  }
0x77: {  	s0 =	simm.s32 @!p0 $0x2  }
0x78: {  	_ =	swait.ge @!p0 [sflag:s0], s1  }
0x79: {  	s1 =	ssub.s32 @!p0 $0x0, s1;
	[sflag:s0] =	ssyncset.done @!p0 $0x0  }
0x7a: {  	[sflag:s0] =	ssyncadd.s32 @!p0 s1  }
0x7b: {  	[bflag:$0x3] =	sbarrier.arrive $0xFFFF  }
0x7c: {  	_ =	shalt  }

</sc_bundles>
